<compile_context>
chip_gen: v7x
topology: tpu7x:2x2x1
jax: 0.10.2.dev20260603
libtpu: 0.0.44.dev20260713+nightly
codegen_flags: <defaults>
</compile_context>

<pallas_src>
import functools

import jax
import jax.numpy as jnp
from jax import lax
from jax.experimental import pallas as pl
from jax.experimental.pallas import tpu as pltpu
from jax.experimental.pallas import tpu_sc as plsc

N_NODES = 10000
N_EDGES = 160000
D_FEAT = 128
TOTAL = N_NODES + 3 * N_EDGES

CHUNK = 48
NPG = 4
BLKROWS = NPG * CHUNK
RPW = 15360
LAST_START = TOTAL - RPW
NBLK = RPW // BLKROWS
NITER = NBLK // 2
TROWS = 632

_mesh = plsc.VectorSubcoreMesh(core_axis_name="c", subcore_axis_name="s")


@functools.partial(
    pl.kernel,
    mesh=_mesh,
    compiler_params=pltpu.CompilerParams(needs_layout_passes=False),
    out_type=[
        jax.ShapeDtypeStruct((TOTAL, D_FEAT), jnp.float32),
        jax.ShapeDtypeStruct((TOTAL,), jnp.int32),
    ],
    scratch_types=[
        pltpu.VMEM((2 * BLKROWS,), jnp.int32),
        pltpu.VMEM((2, BLKROWS, D_FEAT), jnp.float32),
        pltpu.VMEM((2 * BLKROWS,), jnp.int32),
        pltpu.VMEM_SHARED((N_NODES, D_FEAT), jnp.float32),
        pltpu.VMEM_SHARED((N_NODES,), jnp.int32),
        pltpu.SemaphoreType.DMA,
        pltpu.SemaphoreType.DMA,
        pltpu.SemaphoreType.DMA,
        pltpu.SemaphoreType.DMA,
        pltpu.SemaphoreType.DMA,
        pltpu.SemaphoreType.DMA,
    ],
)
def _gather_sc(x_hbm, idx_hbm, b_hbm, out_hbm, bout_hbm,
               idx_v, rows_v, vals_v, xs_sh, bt_sh,
               isem0, isem1, gsem0, gsem1, wsem0, wsem1):
    isems = (isem0, isem1)
    gsems = (gsem0, gsem1)
    wsems = (wsem0, wsem1)
    w = (lax.axis_index("s") * jnp.int32(2) + lax.axis_index("c")).astype(jnp.int32)
    wstart = jnp.minimum(w * jnp.int32(RPW), jnp.int32(LAST_START))

    sid = lax.axis_index("s").astype(jnp.int32)
    rstart = sid * jnp.int32(TROWS)

    def bounce_bt(start, size):
        pltpu.sync_copy(b_hbm.at[pl.ds(start, size)],
                        idx_v.at[pl.ds(jnp.int32(0), size)])
        pltpu.sync_copy(idx_v.at[pl.ds(jnp.int32(0), size)],
                        bt_sh.at[pl.ds(start, size)])

    @pl.when(sid < jnp.int32(15))
    def _():
        pltpu.sync_copy(x_hbm.at[pl.ds(rstart, TROWS)],
                        xs_sh.at[pl.ds(rstart, TROWS)])
        bounce_bt(rstart, 384)
        bounce_bt(rstart + jnp.int32(384), TROWS - 384)

    @pl.when(sid == jnp.int32(15))
    def _():
        last = jnp.int32(15 * TROWS)
        pltpu.sync_copy(x_hbm.at[pl.ds(last, N_NODES - 15 * TROWS)],
                        xs_sh.at[pl.ds(last, N_NODES - 15 * TROWS)])
        bounce_bt(last, 384)
        bounce_bt(last + jnp.int32(384), N_NODES - 15 * TROWS - 384)

    plsc.subcore_barrier()

    def parity_refs(p):
        return (rows_v.at[jnp.int32(p)],
                vals_v.at[pl.ds(jnp.int32(p * BLKROWS), BLKROWS)],
                idx_v.at[pl.ds(jnp.int32(p * BLKROWS), BLKROWS)])

    def drain_writes(p):
        rv, vv, _ = parity_refs(p)
        pltpu.make_async_copy(rv, out_hbm.at[pl.ds(jnp.int32(0), BLKROWS)],
                              wsems[p]).wait()
        pltpu.make_async_copy(vv, bout_hbm.at[pl.ds(jnp.int32(0), BLKROWS)],
                              wsems[p]).wait()

    def body(t, carry):
        for p in range(2):
            b = t * jnp.int32(2) + jnp.int32(p)
            rowbase = wstart + b * jnp.int32(BLKROWS)
            rv, vv, iv_blk = parity_refs(p)

            @pl.when(t > jnp.int32(0))
            def _(p=p):
                drain_writes(p)

            pltpu.make_async_copy(idx_hbm.at[pl.ds(jnp.int32(0), BLKROWS)],
                                  iv_blk, isems[p]).wait()
            for k in range(NPG):
                iv = idx_v.at[pl.ds(jnp.int32(p * BLKROWS + k * CHUNK), CHUNK)]
                pltpu.async_copy(
                    xs_sh.at[iv],
                    rows_v.at[jnp.int32(p), pl.ds(jnp.int32(k * CHUNK), CHUNK)],
                    gsems[p])
                pltpu.async_copy(
                    bt_sh.at[iv],
                    vals_v.at[pl.ds(jnp.int32(p * BLKROWS + k * CHUNK), CHUNK)],
                    gsems[p])
            for k in range(NPG):
                iv = idx_v.at[pl.ds(jnp.int32(p * BLKROWS + k * CHUNK), CHUNK)]
                pltpu.make_async_copy(
                    xs_sh.at[iv],
                    rows_v.at[jnp.int32(p), pl.ds(jnp.int32(k * CHUNK), CHUNK)],
                    gsems[p]).wait()
                pltpu.make_async_copy(
                    bt_sh.at[iv],
                    vals_v.at[pl.ds(jnp.int32(p * BLKROWS + k * CHUNK), CHUNK)],
                    gsems[p]).wait()

            @pl.when(t < jnp.int32(NITER - 1))
            def _(p=p, rowbase=rowbase, iv_blk=iv_blk):
                pltpu.async_copy(
                    idx_hbm.at[pl.ds(rowbase + jnp.int32(2 * BLKROWS), BLKROWS)],
                    iv_blk, isems[p])

            pltpu.async_copy(rv, out_hbm.at[pl.ds(rowbase, BLKROWS)], wsems[p])
            pltpu.async_copy(vv, bout_hbm.at[pl.ds(rowbase, BLKROWS)], wsems[p])
        return carry

    for p in range(2):
        _, _, iv_blk = parity_refs(p)
        pltpu.async_copy(
            idx_hbm.at[pl.ds(wstart + jnp.int32(p * BLKROWS), BLKROWS)],
            iv_blk, isems[p])
    lax.fori_loop(jnp.int32(0), jnp.int32(NITER), body, jnp.int32(0))
    for p in range(2):
        drain_writes(p)


def kernel(user_x, repost_edge_index, follow_edge_index, user_batch):
    idx_all = jnp.concatenate([
        jnp.arange(N_NODES, dtype=jnp.int32),
        repost_edge_index[0].astype(jnp.int32),
        repost_edge_index[1].astype(jnp.int32),
        follow_edge_index[1].astype(jnp.int32),
    ])
    batch_i32 = user_batch.astype(jnp.int32)
    out, bvals = _gather_sc(user_x, idx_all, batch_i32)
    e0 = N_NODES
    sender_batch = bvals[e0:e0 + N_EDGES].astype(user_batch.dtype)
    receiver_batch = bvals[e0 + N_EDGES:e0 + 2 * N_EDGES].astype(user_batch.dtype)
    follower_batch = bvals[e0 + 2 * N_EDGES:].astype(user_batch.dtype)
    return out, sender_batch, receiver_batch, follower_batch

# --- scband reference (transcript-rebuilt; emitter-appended) ---
"""Pipeline reference for scband-base-readout-72782515798217 (READ-ONLY COPY).

The authoritative reference and input builder live on the scoring server;
editing this copy changes nothing except your own understanding.
"""

import jax, jax.numpy as jnp
import numpy as np
jax.config.update("jax_enable_x64", True)

N_NODES = 10000
N_EDGES = 160000
D_FEAT = 128
N_GRAPHS = 64


def setup_inputs(seed: int = 0) -> dict:
    key = jax.random.key(seed)
    k1, k2, k3, k4 = jax.random.split(key, 4)
    user_x = jax.random.normal(k1, (N_NODES, D_FEAT), dtype=jnp.float32)
    repost_edge_index = jax.random.randint(k2, (2, N_EDGES), 0, N_NODES, dtype=jnp.int64)
    follow_edge_index = jax.random.randint(k3, (2, N_EDGES), 0, N_NODES, dtype=jnp.int64)
    user_batch = jnp.sort(jax.random.randint(k4, (N_NODES,), 0, N_GRAPHS, dtype=jnp.int64))
    return {
        "user_x": user_x,
        "repost_edge_index": repost_edge_index,
        "follow_edge_index": follow_edge_index,
        "user_batch": user_batch,
    }


def reference(user_x, repost_edge_index, follow_edge_index, user_batch):
    # Batch-mode readout gather path of BaseReadout:
    # get_user: user_x plus its batch assignment (user_batch)
    # get_sender_receiver: gather user features by repost edge endpoints
    sender = repost_edge_index[0]
    receiver = repost_edge_index[1]
    sender_x = jnp.take(user_x, sender, axis=0)
    sender_batch = jnp.take(user_batch, sender, axis=0)
    receiver_x = jnp.take(user_x, receiver, axis=0)
    receiver_batch = jnp.take(user_batch, receiver, axis=0)
    # get_follower: gather user features by follow edge destination
    follower = follow_edge_index[1]
    follower_x = jnp.take(user_x, follower, axis=0)
    follower_batch = jnp.take(user_batch, follower, axis=0)
    # Collate float outputs into one tensor [N + 3E, D]
    out = jnp.concatenate([user_x, sender_x, receiver_x, follower_x], axis=0)
    return out, sender_batch, receiver_batch, follower_batch

if __name__ == "__main__":
    import jax
    _d = setup_inputs()
    print(jax.jit(kernel)(*tuple(_d.values())))

</pallas_src>

<mosaic_0001>
#map = affine_map<(d0, d1) -> (0, 0)>
#map1 = affine_map<(d0, d1) -> (0)>
module attributes {stable_mosaic.version = 14 : i64} {
  func.func @_gather_sc(%arg0: i32, %arg1: i32, %arg2: memref<10000x128xf32, #tpu.memory_space<hbm>>, %arg3: memref<490000xi32, #tpu.memory_space<hbm>>, %arg4: memref<10000xi32, #tpu.memory_space<hbm>>, %arg5: memref<490000x128xf32, #tpu.memory_space<hbm>>, %arg6: memref<490000xi32, #tpu.memory_space<hbm>>, %arg7: memref<384xi32, #tpu.memory_space<vmem>>, %arg8: memref<2x192x128xf32, #tpu.memory_space<vmem>>, %arg9: memref<384xi32, #tpu.memory_space<vmem>>, %arg10: memref<10000x128xf32, #tpu.memory_space<vmem_shared>>, %arg11: memref<10000xi32, #tpu.memory_space<vmem_shared>>, %arg12: memref<!tpu.dma_semaphore, #tpu.memory_space<semaphore_mem>>, %arg13: memref<!tpu.dma_semaphore, #tpu.memory_space<semaphore_mem>>, %arg14: memref<!tpu.dma_semaphore, #tpu.memory_space<semaphore_mem>>, %arg15: memref<!tpu.dma_semaphore, #tpu.memory_space<semaphore_mem>>, %arg16: memref<!tpu.dma_semaphore, #tpu.memory_space<semaphore_mem>>, %arg17: memref<!tpu.dma_semaphore, #tpu.memory_space<semaphore_mem>>) attributes {dimension_semantics = [#tpu.dimension_semantics<core_parallel>, #tpu.dimension_semantics<subcore_parallel>], iteration_bounds = array<i64: 2, 16>, scalar_prefetch = 0 : i64, scratch_operands = 11 : i64, tpu.core_type = #tpu.core_type<sc_vector_subcore>, window_params = [{transform_indices = #map}, {transform_indices = #map1}, {transform_indices = #map1}, {transform_indices = #map}, {transform_indices = #map1}]} {
    %mul3A = arith.constant 2 : i32
    %mul3A_0 = arith.muli %arg1, %mul3A : i32
    %add3A = arith.addi %mul3A_0, %arg0 : i32
    %mul3A_1 = arith.constant 15360 : i32
    %mul3A_2 = arith.muli %add3A, %mul3A_1 : i32
    %min3A = arith.constant 474640 : i32
    %min3A_3 = arith.minsi %mul3A_2, %min3A : i32
    %mul3A_4 = arith.constant 632 : i32
    %mul3A_5 = arith.muli %arg1, %mul3A_4 : i32
    %lt3A = arith.constant 15 : i32
    %lt3A_6 = arith.cmpi slt, %arg1, %lt3A : i32
    %convert_element_type3A = arith.extui %lt3A_6 : i1 to i32
    %cond3A = arith.constant 0 : i32
    %cond3A_7 = arith.cmpi ne, %convert_element_type3A, %cond3A : i32
    scf.if %cond3A_7 {
      "tpu.region"() ({
        %run_scoped3A_79 = tpu.sem_alloc : memref<!tpu.dma_semaphore, #tpu.memory_space<semaphore_mem>>
        %dma_start3A_80 = arith.constant 0 : i32
        %dma_start3A_81 = tpu.memref_slice %arg10[%mul3A_5, %dma_start3A_80] : memref<10000x128xf32, #tpu.memory_space<vmem_shared>> -> memref<632x128xf32, #tpu.memory_space<vmem_shared>>
        %dma_start3A_82 = arith.constant 0 : i32
        %dma_start3A_83 = tpu.memref_slice %arg2[%mul3A_5, %dma_start3A_82] : memref<10000x128xf32, #tpu.memory_space<hbm>> -> memref<632x128xf32, #tpu.memory_space<hbm>>
        tpu.enqueue_dma source(%dma_start3A_83 : memref<632x128xf32, #tpu.memory_space<hbm>>) target(%dma_start3A_81 : memref<632x128xf32, #tpu.memory_space<vmem_shared>>) target_semaphore(%run_scoped3A_79 : memref<!tpu.dma_semaphore, #tpu.memory_space<semaphore_mem>>)
        %dma_wait3A_84 = arith.constant 0 : i32
        %dma_wait3A_85 = tpu.memref_slice %arg10[%mul3A_5, %dma_wait3A_84] : memref<10000x128xf32, #tpu.memory_space<vmem_shared>> -> memref<632x128xf32, #tpu.memory_space<vmem_shared>>
        %dma_wait3A_86 = arith.constant 0 : i32
        %dma_wait3A_87 = tpu.memref_slice %arg2[%mul3A_5, %dma_wait3A_86] : memref<10000x128xf32, #tpu.memory_space<hbm>> -> memref<632x128xf32, #tpu.memory_space<hbm>>
        tpu.wait_dma2 semaphore(%run_scoped3A_79 : memref<!tpu.dma_semaphore, #tpu.memory_space<semaphore_mem>>) src(%dma_wait3A_87 : memref<632x128xf32, #tpu.memory_space<hbm>>) dst(%dma_wait3A_85 : memref<632x128xf32, #tpu.memory_space<vmem_shared>>)
        tpu.yield
      }) : () -> ()
      %run_scoped3A = arith.constant 0 : i32
      "tpu.region"() ({
        %run_scoped3A_79 = tpu.sem_alloc : memref<!tpu.dma_semaphore, #tpu.memory_space<semaphore_mem>>
        %dma_start3A_80 = tpu.memref_slice %arg7[%run_scoped3A] : memref<384xi32, #tpu.memory_space<vmem>> -> memref<384xi32, #tpu.memory_space<vmem>>
        %dma_start3A_81 = tpu.memref_slice %arg4[%mul3A_5] : memref<10000xi32, #tpu.memory_space<hbm>> -> memref<384xi32, #tpu.memory_space<hbm>>
        %dma_start3A_82 = tpu.memref_slice %arg7[%run_scoped3A] : memref<384xi32, #tpu.memory_space<vmem>> -> memref<384xi32, #tpu.memory_space<vmem>>
        %dma_start3A_83 = tpu.memref_slice %arg4[%mul3A_5] : memref<10000xi32, #tpu.memory_space<hbm>> -> memref<384xi32, #tpu.memory_space<hbm>>
        tpu.enqueue_dma source(%dma_start3A_83 : memref<384xi32, #tpu.memory_space<hbm>>) target(%dma_start3A_82 : memref<384xi32, #tpu.memory_space<vmem>>) target_semaphore(%run_scoped3A_79 : memref<!tpu.dma_semaphore, #tpu.memory_space<semaphore_mem>>)
        %dma_wait3A_84 = tpu.memref_slice %arg7[%run_scoped3A] : memref<384xi32, #tpu.memory_space<vmem>> -> memref<384xi32, #tpu.memory_space<vmem>>
        %dma_wait3A_85 = tpu.memref_slice %arg4[%mul3A_5] : memref<10000xi32, #tpu.memory_space<hbm>> -> memref<384xi32, #tpu.memory_space<hbm>>
        %dma_wait3A_86 = tpu.memref_slice %arg7[%run_scoped3A] : memref<384xi32, #tpu.memory_space<vmem>> -> memref<384xi32, #tpu.memory_space<vmem>>
        %dma_wait3A_87 = tpu.memref_slice %arg4[%mul3A_5] : memref<10000xi32, #tpu.memory_space<hbm>> -> memref<384xi32, #tpu.memory_space<hbm>>
        tpu.wait_dma2 semaphore(%run_scoped3A_79 : memref<!tpu.dma_semaphore, #tpu.memory_space<semaphore_mem>>) src(%dma_wait3A_87 : memref<384xi32, #tpu.memory_space<hbm>>) dst(%dma_wait3A_86 : memref<384xi32, #tpu.memory_space<vmem>>)
        tpu.yield
      }) : () -> ()
      %run_scoped3A_74 = arith.constant 0 : i32
      "tpu.region"() ({
        %run_scoped3A_79 = tpu.sem_alloc : memref<!tpu.dma_semaphore, #tpu.memory_space<semaphore_mem>>
        %dma_start3A_80 = tpu.memref_slice %arg7[%run_scoped3A_74] : memref<384xi32, #tpu.memory_space<vmem>> -> memref<384xi32, #tpu.memory_space<vmem>>
        %dma_start3A_81 = tpu.memref_slice %arg11[%mul3A_5] : memref<10000xi32, #tpu.memory_space<vmem_shared>> -> memref<384xi32, #tpu.memory_space<vmem_shared>>
        %dma_start3A_82 = tpu.memref_slice %arg11[%mul3A_5] : memref<10000xi32, #tpu.memory_space<vmem_shared>> -> memref<384xi32, #tpu.memory_space<vmem_shared>>
        %dma_start3A_83 = tpu.memref_slice %arg7[%run_scoped3A_74] : memref<384xi32, #tpu.memory_space<vmem>> -> memref<384xi32, #tpu.memory_space<vmem>>
        tpu.enqueue_dma source(%dma_start3A_83 : memref<384xi32, #tpu.memory_space<vmem>>) target(%dma_start3A_82 : memref<384xi32, #tpu.memory_space<vmem_shared>>) target_semaphore(%run_scoped3A_79 : memref<!tpu.dma_semaphore, #tpu.memory_space<semaphore_mem>>)
        %dma_wait3A_84 = tpu.memref_slice %arg7[%run_scoped3A_74] : memref<384xi32, #tpu.memory_space<vmem>> -> memref<384xi32, #tpu.memory_space<vmem>>
        %dma_wait3A_85 = tpu.memref_slice %arg11[%mul3A_5] : memref<10000xi32, #tpu.memory_space<vmem_shared>> -> memref<384xi32, #tpu.memory_space<vmem_shared>>
        %dma_wait3A_86 = tpu.memref_slice %arg11[%mul3A_5] : memref<10000xi32, #tpu.memory_space<vmem_shared>> -> memref<384xi32, #tpu.memory_space<vmem_shared>>
        %dma_wait3A_87 = tpu.memref_slice %arg7[%run_scoped3A_74] : memref<384xi32, #tpu.memory_space<vmem>> -> memref<384xi32, #tpu.memory_space<vmem>>
        tpu.wait_dma2 semaphore(%run_scoped3A_79 : memref<!tpu.dma_semaphore, #tpu.memory_space<semaphore_mem>>) src(%dma_wait3A_87 : memref<384xi32, #tpu.memory_space<vmem>>) dst(%dma_wait3A_86 : memref<384xi32, #tpu.memory_space<vmem_shared>>)
        tpu.yield
      }) : () -> ()
      %add3A_75 = arith.constant 384 : i32
      %add3A_76 = arith.addi %mul3A_5, %add3A_75 : i32
      %run_scoped3A_77 = arith.constant 0 : i32
      "tpu.region"() ({
        %run_scoped3A_79 = tpu.sem_alloc : memref<!tpu.dma_semaphore, #tpu.memory_space<semaphore_mem>>
        %dma_start3A_80 = tpu.memref_slice %arg7[%run_scoped3A_77] : memref<384xi32, #tpu.memory_space<vmem>> -> memref<248xi32, #tpu.memory_space<vmem>>
        %dma_start3A_81 = tpu.memref_slice %arg4[%add3A_76] : memref<10000xi32, #tpu.memory_space<hbm>> -> memref<248xi32, #tpu.memory_space<hbm>>
        %dma_start3A_82 = tpu.memref_slice %arg7[%run_scoped3A_77] : memref<384xi32, #tpu.memory_space<vmem>> -> memref<248xi32, #tpu.memory_space<vmem>>
        %dma_start3A_83 = tpu.memref_slice %arg4[%add3A_76] : memref<10000xi32, #tpu.memory_space<hbm>> -> memref<248xi32, #tpu.memory_space<hbm>>
        tpu.enqueue_dma source(%dma_start3A_83 : memref<248xi32, #tpu.memory_space<hbm>>) target(%dma_start3A_82 : memref<248xi32, #tpu.memory_space<vmem>>) target_semaphore(%run_scoped3A_79 : memref<!tpu.dma_semaphore, #tpu.memory_space<semaphore_mem>>)
        %dma_wait3A_84 = tpu.memref_slice %arg7[%run_scoped3A_77] : memref<384xi32, #tpu.memory_space<vmem>> -> memref<248xi32, #tpu.memory_space<vmem>>
        %dma_wait3A_85 = tpu.memref_slice %arg4[%add3A_76] : memref<10000xi32, #tpu.memory_space<hbm>> -> memref<248xi32, #tpu.memory_space<hbm>>
        %dma_wait3A_86 = tpu.memref_slice %arg7[%run_scoped3A_77] : memref<384xi32, #tpu.memory_space<vmem>> -> memref<248xi32, #tpu.memory_space<vmem>>
        %dma_wait3A_87 = tpu.memref_slice %arg4[%add3A_76] : memref<10000xi32, #tpu.memory_space<hbm>> -> memref<248xi32, #tpu.memory_space<hbm>>
        tpu.wait_dma2 semaphore(%run_scoped3A_79 : memref<!tpu.dma_semaphore, #tpu.memory_space<semaphore_mem>>) src(%dma_wait3A_87 : memref<248xi32, #tpu.memory_space<hbm>>) dst(%dma_wait3A_86 : memref<248xi32, #tpu.memory_space<vmem>>)
        tpu.yield
      }) : () -> ()
      %run_scoped3A_78 = arith.constant 0 : i32
      "tpu.region"() ({
        %run_scoped3A_79 = tpu.sem_alloc : memref<!tpu.dma_semaphore, #tpu.memory_space<semaphore_mem>>
        %dma_start3A_80 = tpu.memref_slice %arg7[%run_scoped3A_78] : memref<384xi32, #tpu.memory_space<vmem>> -> memref<248xi32, #tpu.memory_space<vmem>>
        %dma_start3A_81 = tpu.memref_slice %arg11[%add3A_76] : memref<10000xi32, #tpu.memory_space<vmem_shared>> -> memref<248xi32, #tpu.memory_space<vmem_shared>>
        %dma_start3A_82 = tpu.memref_slice %arg11[%add3A_76] : memref<10000xi32, #tpu.memory_space<vmem_shared>> -> memref<248xi32, #tpu.memory_space<vmem_shared>>
        %dma_start3A_83 = tpu.memref_slice %arg7[%run_scoped3A_78] : memref<384xi32, #tpu.memory_space<vmem>> -> memref<248xi32, #tpu.memory_space<vmem>>
        tpu.enqueue_dma source(%dma_start3A_83 : memref<248xi32, #tpu.memory_space<vmem>>) target(%dma_start3A_82 : memref<248xi32, #tpu.memory_space<vmem_shared>>) target_semaphore(%run_scoped3A_79 : memref<!tpu.dma_semaphore, #tpu.memory_space<semaphore_mem>>)
        %dma_wait3A_84 = tpu.memref_slice %arg7[%run_scoped3A_78] : memref<384xi32, #tpu.memory_space<vmem>> -> memref<248xi32, #tpu.memory_space<vmem>>
        %dma_wait3A_85 = tpu.memref_slice %arg11[%add3A_76] : memref<10000xi32, #tpu.memory_space<vmem_shared>> -> memref<248xi32, #tpu.memory_space<vmem_shared>>
        %dma_wait3A_86 = tpu.memref_slice %arg11[%add3A_76] : memref<10000xi32, #tpu.memory_space<vmem_shared>> -> memref<248xi32, #tpu.memory_space<vmem_shared>>
        %dma_wait3A_87 = tpu.memref_slice %arg7[%run_scoped3A_78] : memref<384xi32, #tpu.memory_space<vmem>> -> memref<248xi32, #tpu.memory_space<vmem>>
        tpu.wait_dma2 semaphore(%run_scoped3A_79 : memref<!tpu.dma_semaphore, #tpu.memory_space<semaphore_mem>>) src(%dma_wait3A_87 : memref<248xi32, #tpu.memory_space<vmem>>) dst(%dma_wait3A_86 : memref<248xi32, #tpu.memory_space<vmem_shared>>)
        tpu.yield
      }) : () -> ()
    } else {
    }
    %eq3A = arith.constant 15 : i32
    %eq3A_8 = arith.cmpi eq, %arg1, %eq3A : i32
    %convert_element_type3A_9 = arith.extui %eq3A_8 : i1 to i32
    %cond3A_10 = arith.constant 0 : i32
    %cond3A_11 = arith.cmpi ne, %convert_element_type3A_9, %cond3A_10 : i32
    scf.if %cond3A_11 {
      %run_scoped3A = arith.constant 9480 : i32
      "tpu.region"() ({
        %run_scoped3A_83 = tpu.sem_alloc : memref<!tpu.dma_semaphore, #tpu.memory_space<semaphore_mem>>
        %dma_start3A_84 = arith.constant 0 : i32
        %dma_start3A_85 = tpu.memref_slice %arg10[%run_scoped3A, %dma_start3A_84] : memref<10000x128xf32, #tpu.memory_space<vmem_shared>> -> memref<520x128xf32, #tpu.memory_space<vmem_shared>>
        %dma_start3A_86 = arith.constant 0 : i32
        %dma_start3A_87 = tpu.memref_slice %arg2[%run_scoped3A, %dma_start3A_86] : memref<10000x128xf32, #tpu.memory_space<hbm>> -> memref<520x128xf32, #tpu.memory_space<hbm>>
        tpu.enqueue_dma source(%dma_start3A_87 : memref<520x128xf32, #tpu.memory_space<hbm>>) target(%dma_start3A_85 : memref<520x128xf32, #tpu.memory_space<vmem_shared>>) target_semaphore(%run_scoped3A_83 : memref<!tpu.dma_semaphore, #tpu.memory_space<semaphore_mem>>)
        %dma_wait3A_88 = arith.constant 0 : i32
        %dma_wait3A_89 = tpu.memref_slice %arg10[%run_scoped3A, %dma_wait3A_88] : memref<10000x128xf32, #tpu.memory_space<vmem_shared>> -> memref<520x128xf32, #tpu.memory_space<vmem_shared>>
        %dma_wait3A_90 = arith.constant 0 : i32
        %dma_wait3A_91 = tpu.memref_slice %arg2[%run_scoped3A, %dma_wait3A_90] : memref<10000x128xf32, #tpu.memory_space<hbm>> -> memref<520x128xf32, #tpu.memory_space<hbm>>
        tpu.wait_dma2 semaphore(%run_scoped3A_83 : memref<!tpu.dma_semaphore, #tpu.memory_space<semaphore_mem>>) src(%dma_wait3A_91 : memref<520x128xf32, #tpu.memory_space<hbm>>) dst(%dma_wait3A_89 : memref<520x128xf32, #tpu.memory_space<vmem_shared>>)
        tpu.yield
      }) : () -> ()
      %run_scoped3A_74 = arith.constant 9480 : i32
      %run_scoped3A_75 = arith.constant 0 : i32
      "tpu.region"() ({
        %run_scoped3A_83 = tpu.sem_alloc : memref<!tpu.dma_semaphore, #tpu.memory_space<semaphore_mem>>
        %dma_start3A_84 = tpu.memref_slice %arg7[%run_scoped3A_75] : memref<384xi32, #tpu.memory_space<vmem>> -> memref<384xi32, #tpu.memory_space<vmem>>
        %dma_start3A_85 = tpu.memref_slice %arg4[%run_scoped3A_74] : memref<10000xi32, #tpu.memory_space<hbm>> -> memref<384xi32, #tpu.memory_space<hbm>>
        %dma_start3A_86 = tpu.memref_slice %arg7[%run_scoped3A_75] : memref<384xi32, #tpu.memory_space<vmem>> -> memref<384xi32, #tpu.memory_space<vmem>>
        %dma_start3A_87 = tpu.memref_slice %arg4[%run_scoped3A_74] : memref<10000xi32, #tpu.memory_space<hbm>> -> memref<384xi32, #tpu.memory_space<hbm>>
        tpu.enqueue_dma source(%dma_start3A_87 : memref<384xi32, #tpu.memory_space<hbm>>) target(%dma_start3A_86 : memref<384xi32, #tpu.memory_space<vmem>>) target_semaphore(%run_scoped3A_83 : memref<!tpu.dma_semaphore, #tpu.memory_space<semaphore_mem>>)
        %dma_wait3A_88 = tpu.memref_slice %arg7[%run_scoped3A_75] : memref<384xi32, #tpu.memory_space<vmem>> -> memref<384xi32, #tpu.memory_space<vmem>>
        %dma_wait3A_89 = tpu.memref_slice %arg4[%run_scoped3A_74] : memref<10000xi32, #tpu.memory_space<hbm>> -> memref<384xi32, #tpu.memory_space<hbm>>
        %dma_wait3A_90 = tpu.memref_slice %arg7[%run_scoped3A_75] : memref<384xi32, #tpu.memory_space<vmem>> -> memref<384xi32, #tpu.memory_space<vmem>>
        %dma_wait3A_91 = tpu.memref_slice %arg4[%run_scoped3A_74] : memref<10000xi32, #tpu.memory_space<hbm>> -> memref<384xi32, #tpu.memory_space<hbm>>
        tpu.wait_dma2 semaphore(%run_scoped3A_83 : memref<!tpu.dma_semaphore, #tpu.memory_space<semaphore_mem>>) src(%dma_wait3A_91 : memref<384xi32, #tpu.memory_space<hbm>>) dst(%dma_wait3A_90 : memref<384xi32, #tpu.memory_space<vmem>>)
        tpu.yield
      }) : () -> ()
      %run_scoped3A_76 = arith.constant 0 : i32
      %run_scoped3A_77 = arith.constant 9480 : i32
      "tpu.region"() ({
        %run_scoped3A_83 = tpu.sem_alloc : memref<!tpu.dma_semaphore, #tpu.memory_space<semaphore_mem>>
        %dma_start3A_84 = tpu.memref_slice %arg7[%run_scoped3A_76] : memref<384xi32, #tpu.memory_space<vmem>> -> memref<384xi32, #tpu.memory_space<vmem>>
        %dma_start3A_85 = tpu.memref_slice %arg11[%run_scoped3A_77] : memref<10000xi32, #tpu.memory_space<vmem_shared>> -> memref<384xi32, #tpu.memory_space<vmem_shared>>
        %dma_start3A_86 = tpu.memref_slice %arg11[%run_scoped3A_77] : memref<10000xi32, #tpu.memory_space<vmem_shared>> -> memref<384xi32, #tpu.memory_space<vmem_shared>>
        %dma_start3A_87 = tpu.memref_slice %arg7[%run_scoped3A_76] : memref<384xi32, #tpu.memory_space<vmem>> -> memref<384xi32, #tpu.memory_space<vmem>>
        tpu.enqueue_dma source(%dma_start3A_87 : memref<384xi32, #tpu.memory_space<vmem>>) target(%dma_start3A_86 : memref<384xi32, #tpu.memory_space<vmem_shared>>) target_semaphore(%run_scoped3A_83 : memref<!tpu.dma_semaphore, #tpu.memory_space<semaphore_mem>>)
        %dma_wait3A_88 = tpu.memref_slice %arg7[%run_scoped3A_76] : memref<384xi32, #tpu.memory_space<vmem>> -> memref<384xi32, #tpu.memory_space<vmem>>
        %dma_wait3A_89 = tpu.memref_slice %arg11[%run_scoped3A_77] : memref<10000xi32, #tpu.memory_space<vmem_shared>> -> memref<384xi32, #tpu.memory_space<vmem_shared>>
        %dma_wait3A_90 = tpu.memref_slice %arg11[%run_scoped3A_77] : memref<10000xi32, #tpu.memory_space<vmem_shared>> -> memref<384xi32, #tpu.memory_space<vmem_shared>>
        %dma_wait3A_91 = tpu.memref_slice %arg7[%run_scoped3A_76] : memref<384xi32, #tpu.memory_space<vmem>> -> memref<384xi32, #tpu.memory_space<vmem>>
        tpu.wait_dma2 semaphore(%run_scoped3A_83 : memref<!tpu.dma_semaphore, #tpu.memory_space<semaphore_mem>>) src(%dma_wait3A_91 : memref<384xi32, #tpu.memory_space<vmem>>) dst(%dma_wait3A_90 : memref<384xi32, #tpu.memory_space<vmem_shared>>)
        tpu.yield
      }) : () -> ()
      %add3A_78 = arith.constant 9480 : i32
      %add3A_79 = arith.constant 384 : i32
      %add3A_80 = arith.addi %add3A_78, %add3A_79 : i32
      %run_scoped3A_81 = arith.constant 0 : i32
      "tpu.region"() ({
        %run_scoped3A_83 = tpu.sem_alloc : memref<!tpu.dma_semaphore, #tpu.memory_space<semaphore_mem>>
        %dma_start3A_84 = tpu.memref_slice %arg7[%run_scoped3A_81] : memref<384xi32, #tpu.memory_space<vmem>> -> memref<136xi32, #tpu.memory_space<vmem>>
        %dma_start3A_85 = tpu.memref_slice %arg4[%add3A_80] : memref<10000xi32, #tpu.memory_space<hbm>> -> memref<136xi32, #tpu.memory_space<hbm>>
        %dma_start3A_86 = tpu.memref_slice %arg7[%run_scoped3A_81] : memref<384xi32, #tpu.memory_space<vmem>> -> memref<136xi32, #tpu.memory_space<vmem>>
        %dma_start3A_87 = tpu.memref_slice %arg4[%add3A_80] : memref<10000xi32, #tpu.memory_space<hbm>> -> memref<136xi32, #tpu.memory_space<hbm>>
        tpu.enqueue_dma source(%dma_start3A_87 : memref<136xi32, #tpu.memory_space<hbm>>) target(%dma_start3A_86 : memref<136xi32, #tpu.memory_space<vmem>>) target_semaphore(%run_scoped3A_83 : memref<!tpu.dma_semaphore, #tpu.memory_space<semaphore_mem>>)
        %dma_wait3A_88 = tpu.memref_slice %arg7[%run_scoped3A_81] : memref<384xi32, #tpu.memory_space<vmem>> -> memref<136xi32, #tpu.memory_space<vmem>>
        %dma_wait3A_89 = tpu.memref_slice %arg4[%add3A_80] : memref<10000xi32, #tpu.memory_space<hbm>> -> memref<136xi32, #tpu.memory_space<hbm>>
        %dma_wait3A_90 = tpu.memref_slice %arg7[%run_scoped3A_81] : memref<384xi32, #tpu.memory_space<vmem>> -> memref<136xi32, #tpu.memory_space<vmem>>
        %dma_wait3A_91 = tpu.memref_slice %arg4[%add3A_80] : memref<10000xi32, #tpu.memory_space<hbm>> -> memref<136xi32, #tpu.memory_space<hbm>>
        tpu.wait_dma2 semaphore(%run_scoped3A_83 : memref<!tpu.dma_semaphore, #tpu.memory_space<semaphore_mem>>) src(%dma_wait3A_91 : memref<136xi32, #tpu.memory_space<hbm>>) dst(%dma_wait3A_90 : memref<136xi32, #tpu.memory_space<vmem>>)
        tpu.yield
      }) : () -> ()
      %run_scoped3A_82 = arith.constant 0 : i32
      "tpu.region"() ({
        %run_scoped3A_83 = tpu.sem_alloc : memref<!tpu.dma_semaphore, #tpu.memory_space<semaphore_mem>>
        %dma_start3A_84 = tpu.memref_slice %arg7[%run_scoped3A_82] : memref<384xi32, #tpu.memory_space<vmem>> -> memref<136xi32, #tpu.memory_space<vmem>>
        %dma_start3A_85 = tpu.memref_slice %arg11[%add3A_80] : memref<10000xi32, #tpu.memory_space<vmem_shared>> -> memref<136xi32, #tpu.memory_space<vmem_shared>>
        %dma_start3A_86 = tpu.memref_slice %arg11[%add3A_80] : memref<10000xi32, #tpu.memory_space<vmem_shared>> -> memref<136xi32, #tpu.memory_space<vmem_shared>>
        %dma_start3A_87 = tpu.memref_slice %arg7[%run_scoped3A_82] : memref<384xi32, #tpu.memory_space<vmem>> -> memref<136xi32, #tpu.memory_space<vmem>>
        tpu.enqueue_dma source(%dma_start3A_87 : memref<136xi32, #tpu.memory_space<vmem>>) target(%dma_start3A_86 : memref<136xi32, #tpu.memory_space<vmem_shared>>) target_semaphore(%run_scoped3A_83 : memref<!tpu.dma_semaphore, #tpu.memory_space<semaphore_mem>>)
        %dma_wait3A_88 = tpu.memref_slice %arg7[%run_scoped3A_82] : memref<384xi32, #tpu.memory_space<vmem>> -> memref<136xi32, #tpu.memory_space<vmem>>
        %dma_wait3A_89 = tpu.memref_slice %arg11[%add3A_80] : memref<10000xi32, #tpu.memory_space<vmem_shared>> -> memref<136xi32, #tpu.memory_space<vmem_shared>>
        %dma_wait3A_90 = tpu.memref_slice %arg11[%add3A_80] : memref<10000xi32, #tpu.memory_space<vmem_shared>> -> memref<136xi32, #tpu.memory_space<vmem_shared>>
        %dma_wait3A_91 = tpu.memref_slice %arg7[%run_scoped3A_82] : memref<384xi32, #tpu.memory_space<vmem>> -> memref<136xi32, #tpu.memory_space<vmem>>
        tpu.wait_dma2 semaphore(%run_scoped3A_83 : memref<!tpu.dma_semaphore, #tpu.memory_space<semaphore_mem>>) src(%dma_wait3A_91 : memref<136xi32, #tpu.memory_space<vmem>>) dst(%dma_wait3A_90 : memref<136xi32, #tpu.memory_space<vmem_shared>>)
        tpu.yield
      }) : () -> ()
    } else {
    }
    %barrier3A = arith.constant 0 : index
    tpu.barrier barrier_id(%barrier3A)
    %add3A_12 = arith.constant 0 : i32
    %add3A_13 = arith.addi %min3A_3, %add3A_12 : i32
    %dma_start3A = arith.constant 0 : i32
    %dma_start3A_14 = tpu.memref_slice %arg7[%dma_start3A] : memref<384xi32, #tpu.memory_space<vmem>> -> memref<192xi32, #tpu.memory_space<vmem>>
    %dma_start3A_15 = tpu.memref_slice %arg3[%add3A_13] : memref<490000xi32, #tpu.memory_space<hbm>> -> memref<192xi32, #tpu.memory_space<hbm>>
    %dma_start3A_16 = tpu.memref_slice %arg7[%dma_start3A] : memref<384xi32, #tpu.memory_space<vmem>> -> memref<192xi32, #tpu.memory_space<vmem>>
    %dma_start3A_17 = tpu.memref_slice %arg3[%add3A_13] : memref<490000xi32, #tpu.memory_space<hbm>> -> memref<192xi32, #tpu.memory_space<hbm>>
    tpu.enqueue_dma source(%dma_start3A_17 : memref<192xi32, #tpu.memory_space<hbm>>) target(%dma_start3A_16 : memref<192xi32, #tpu.memory_space<vmem>>) target_semaphore(%arg12 : memref<!tpu.dma_semaphore, #tpu.memory_space<semaphore_mem>>)
    %add3A_18 = arith.constant 192 : i32
    %add3A_19 = arith.addi %min3A_3, %add3A_18 : i32
    %dma_start3A_20 = arith.constant 192 : i32
    %dma_start3A_21 = tpu.memref_slice %arg7[%dma_start3A_20] : memref<384xi32, #tpu.memory_space<vmem>> -> memref<192xi32, #tpu.memory_space<vmem>>
    %dma_start3A_22 = tpu.memref_slice %arg3[%add3A_19] : memref<490000xi32, #tpu.memory_space<hbm>> -> memref<192xi32, #tpu.memory_space<hbm>>
    %dma_start3A_23 = tpu.memref_slice %arg7[%dma_start3A_20] : memref<384xi32, #tpu.memory_space<vmem>> -> memref<192xi32, #tpu.memory_space<vmem>>
    %dma_start3A_24 = tpu.memref_slice %arg3[%add3A_19] : memref<490000xi32, #tpu.memory_space<hbm>> -> memref<192xi32, #tpu.memory_space<hbm>>
    tpu.enqueue_dma source(%dma_start3A_24 : memref<192xi32, #tpu.memory_space<hbm>>) target(%dma_start3A_23 : memref<192xi32, #tpu.memory_space<vmem>>) target_semaphore(%arg13 : memref<!tpu.dma_semaphore, #tpu.memory_space<semaphore_mem>>)
    %while3A = arith.constant 0 : i32
    %while3A_25 = arith.constant 0 : i32
    %while3A_26 = arith.constant 40 : i32
    %while3A_27 = arith.subi %while3A_26, %while3A_25 : i32
    %while3A_28 = arith.addi %while3A_25, %while3A_27 : i32
    %while3A_29 = arith.constant 1 : i32
    %while3A_30 = arith.divsi %while3A_27, %while3A_29 : i32
    %while3A_31 = arith.muli %while3A_30, %while3A_29 : i32
    %while3A_32 = arith.addi %while3A_25, %while3A_31 : i32
    %while3A_33 = arith.constant 1 : i32
    scf.for %while3A_74 = %while3A_25 to %while3A_32 step %while3A_33  : i32 {
      %mul3A_75 = arith.constant 2 : i32
      %mul3A_76 = arith.muli %while3A_74, %mul3A_75 : i32
      %add3A_77 = arith.constant 0 : i32
      %add3A_78 = arith.addi %mul3A_76, %add3A_77 : i32
      %mul3A_79 = arith.constant 192 : i32
      %mul3A_80 = arith.muli %add3A_78, %mul3A_79 : i32
      %add3A_81 = arith.addi %min3A_3, %mul3A_80 : i32
      %gt3A = arith.constant 0 : i32
      %gt3A_82 = arith.cmpi sgt, %while3A_74, %gt3A : i32
      %convert_element_type3A_83 = arith.extui %gt3A_82 : i1 to i32
      %cond3A_84 = arith.constant 0 : i32
      %cond3A_85 = arith.cmpi ne, %convert_element_type3A_83, %cond3A_84 : i32
      scf.if %cond3A_85 {
        %dma_wait3A_414 = arith.constant 0 : i32
        %dma_wait3A_415 = arith.constant 0 : i32
        %dma_wait3A_416 = arith.constant 0 : i32
        %dma_wait3A_417 = arith.constant 0 : i32
        %dma_wait3A_418 = tpu.memref_slice %arg8[%dma_wait3A_414, %dma_wait3A_416, %dma_wait3A_417] : memref<2x192x128xf32, #tpu.memory_space<vmem>> -> memref<1x192x128xf32, #tpu.memory_space<vmem>>
        %dma_wait3A_419 = tpu.memref_squeeze %dma_wait3A_418 : memref<1x192x128xf32, #tpu.memory_space<vmem>> -> memref<192x128xf32, #tpu.memory_space<vmem>>
        %dma_wait3A_420 = arith.constant 0 : i32
        %dma_wait3A_421 = tpu.memref_slice %arg5[%dma_wait3A_415, %dma_wait3A_420] : memref<490000x128xf32, #tpu.memory_space<hbm>> -> memref<192x128xf32, #tpu.memory_space<hbm>>
        %dma_wait3A_422 = arith.constant 0 : i32
        %dma_wait3A_423 = tpu.memref_slice %arg5[%dma_wait3A_415, %dma_wait3A_422] : memref<490000x128xf32, #tpu.memory_space<hbm>> -> memref<192x128xf32, #tpu.memory_space<hbm>>
        %dma_wait3A_424 = arith.constant 0 : i32
        %dma_wait3A_425 = arith.constant 0 : i32
        %dma_wait3A_426 = tpu.memref_slice %arg8[%dma_wait3A_414, %dma_wait3A_424, %dma_wait3A_425] : memref<2x192x128xf32, #tpu.memory_space<vmem>> -> memref<1x192x128xf32, #tpu.memory_space<vmem>>
        %dma_wait3A_427 = tpu.memref_squeeze %dma_wait3A_426 : memref<1x192x128xf32, #tpu.memory_space<vmem>> -> memref<192x128xf32, #tpu.memory_space<vmem>>
        tpu.wait_dma2 semaphore(%arg16 : memref<!tpu.dma_semaphore, #tpu.memory_space<semaphore_mem>>) src(%dma_wait3A_427 : memref<192x128xf32, #tpu.memory_space<vmem>>) dst(%dma_wait3A_423 : memref<192x128xf32, #tpu.memory_space<hbm>>)
        %dma_wait3A_428 = arith.constant 0 : i32
        %dma_wait3A_429 = arith.constant 0 : i32
        %dma_wait3A_430 = tpu.memref_slice %arg9[%dma_wait3A_428] : memref<384xi32, #tpu.memory_space<vmem>> -> memref<192xi32, #tpu.memory_space<vmem>>
        %dma_wait3A_431 = tpu.memref_slice %arg6[%dma_wait3A_429] : memref<490000xi32, #tpu.memory_space<hbm>> -> memref<192xi32, #tpu.memory_space<hbm>>
        %dma_wait3A_432 = tpu.memref_slice %arg6[%dma_wait3A_429] : memref<490000xi32, #tpu.memory_space<hbm>> -> memref<192xi32, #tpu.memory_space<hbm>>
        %dma_wait3A_433 = tpu.memref_slice %arg9[%dma_wait3A_428] : memref<384xi32, #tpu.memory_space<vmem>> -> memref<192xi32, #tpu.memory_space<vmem>>
        tpu.wait_dma2 semaphore(%arg16 : memref<!tpu.dma_semaphore, #tpu.memory_space<semaphore_mem>>) src(%dma_wait3A_433 : memref<192xi32, #tpu.memory_space<vmem>>) dst(%dma_wait3A_432 : memref<192xi32, #tpu.memory_space<hbm>>)
      } else {
      }
      %dma_wait3A_86 = arith.constant 0 : i32
      %dma_wait3A_87 = arith.constant 0 : i32
      %dma_wait3A_88 = tpu.memref_slice %arg7[%dma_wait3A_87] : memref<384xi32, #tpu.memory_space<vmem>> -> memref<192xi32, #tpu.memory_space<vmem>>
      %dma_wait3A_89 = tpu.memref_slice %arg3[%dma_wait3A_86] : memref<490000xi32, #tpu.memory_space<hbm>> -> memref<192xi32, #tpu.memory_space<hbm>>
      %dma_wait3A_90 = tpu.memref_slice %arg7[%dma_wait3A_87] : memref<384xi32, #tpu.memory_space<vmem>> -> memref<192xi32, #tpu.memory_space<vmem>>
      %dma_wait3A_91 = tpu.memref_slice %arg3[%dma_wait3A_86] : memref<490000xi32, #tpu.memory_space<hbm>> -> memref<192xi32, #tpu.memory_space<hbm>>
      tpu.wait_dma2 semaphore(%arg12 : memref<!tpu.dma_semaphore, #tpu.memory_space<semaphore_mem>>) src(%dma_wait3A_91 : memref<192xi32, #tpu.memory_space<hbm>>) dst(%dma_wait3A_90 : memref<192xi32, #tpu.memory_space<vmem>>)
      %dma_start3A_92 = arith.constant 0 : i32
      %dma_start3A_93 = arith.constant 0 : i32
      %dma_start3A_94 = arith.constant 0 : i32
      %dma_start3A_95 = arith.constant 0 : i32
      %dma_start3A_96 = tpu.memref_slice %arg8[%dma_start3A_93, %dma_start3A_94, %dma_start3A_95] : memref<2x192x128xf32, #tpu.memory_space<vmem>> -> memref<1x48x128xf32, #tpu.memory_space<vmem>>
      %dma_start3A_97 = tpu.memref_squeeze %dma_start3A_96 : memref<1x48x128xf32, #tpu.memory_space<vmem>> -> memref<48x128xf32, #tpu.memory_space<vmem>>
      %dma_start3A_98 = tpu.memref_slice %arg7[%dma_start3A_92] : memref<384xi32, #tpu.memory_space<vmem>> -> memref<48xi32, #tpu.memory_space<vmem>>
      %dma_start3A_99 = arith.constant 0 : i32
      %dma_start3A_100 = arith.constant 0 : i32
      %dma_start3A_101 = tpu.memref_slice %arg10[%dma_start3A_99, %dma_start3A_100] : memref<10000x128xf32, #tpu.memory_space<vmem_shared>> -> memref<10000x128xf32, #tpu.memory_space<vmem_shared>>
      tpu.enqueue_indirect_dma source(%dma_start3A_101 : memref<10000x128xf32, #tpu.memory_space<vmem_shared>>) target(%dma_start3A_97 : memref<48x128xf32, #tpu.memory_space<vmem>>) offsets(%dma_start3A_98 : memref<48xi32, #tpu.memory_space<vmem>>) semaphore(%arg14 : memref<!tpu.dma_semaphore, #tpu.memory_space<semaphore_mem>>)
      %dma_start3A_102 = arith.constant 0 : i32
      %dma_start3A_103 = arith.constant 0 : i32
      %dma_start3A_104 = tpu.memref_slice %arg9[%dma_start3A_103] : memref<384xi32, #tpu.memory_space<vmem>> -> memref<48xi32, #tpu.memory_space<vmem>>
      %dma_start3A_105 = tpu.memref_slice %arg7[%dma_start3A_102] : memref<384xi32, #tpu.memory_space<vmem>> -> memref<48xi32, #tpu.memory_space<vmem>>
      %dma_start3A_106 = arith.constant 0 : i32
      %dma_start3A_107 = tpu.memref_slice %arg11[%dma_start3A_106] : memref<10000xi32, #tpu.memory_space<vmem_shared>> -> memref<10000xi32, #tpu.memory_space<vmem_shared>>
      tpu.enqueue_indirect_dma source(%dma_start3A_107 : memref<10000xi32, #tpu.memory_space<vmem_shared>>) target(%dma_start3A_104 : memref<48xi32, #tpu.memory_space<vmem>>) offsets(%dma_start3A_105 : memref<48xi32, #tpu.memory_space<vmem>>) semaphore(%arg14 : memref<!tpu.dma_semaphore, #tpu.memory_space<semaphore_mem>>)
      %dma_start3A_108 = arith.constant 48 : i32
      %dma_start3A_109 = arith.constant 0 : i32
      %dma_start3A_110 = arith.constant 48 : i32
      %dma_start3A_111 = arith.constant 0 : i32
      %dma_start3A_112 = tpu.memref_slice %arg8[%dma_start3A_109, %dma_start3A_110, %dma_start3A_111] : memref<2x192x128xf32, #tpu.memory_space<vmem>> -> memref<1x48x128xf32, #tpu.memory_space<vmem>>
      %dma_start3A_113 = tpu.memref_squeeze %dma_start3A_112 : memref<1x48x128xf32, #tpu.memory_space<vmem>> -> memref<48x128xf32, #tpu.memory_space<vmem>>
      %dma_start3A_114 = tpu.memref_slice %arg7[%dma_start3A_108] : memref<384xi32, #tpu.memory_space<vmem>> -> memref<48xi32, #tpu.memory_space<vmem>>
      %dma_start3A_115 = arith.constant 0 : i32
      %dma_start3A_116 = arith.constant 0 : i32
      %dma_start3A_117 = tpu.memref_slice %arg10[%dma_start3A_115, %dma_start3A_116] : memref<10000x128xf32, #tpu.memory_space<vmem_shared>> -> memref<10000x128xf32, #tpu.memory_space<vmem_shared>>
      tpu.enqueue_indirect_dma source(%dma_start3A_117 : memref<10000x128xf32, #tpu.memory_space<vmem_shared>>) target(%dma_start3A_113 : memref<48x128xf32, #tpu.memory_space<vmem>>) offsets(%dma_start3A_114 : memref<48xi32, #tpu.memory_space<vmem>>) semaphore(%arg14 : memref<!tpu.dma_semaphore, #tpu.memory_space<semaphore_mem>>)
      %dma_start3A_118 = arith.constant 48 : i32
      %dma_start3A_119 = arith.constant 48 : i32
      %dma_start3A_120 = tpu.memref_slice %arg9[%dma_start3A_119] : memref<384xi32, #tpu.memory_space<vmem>> -> memref<48xi32, #tpu.memory_space<vmem>>
      %dma_start3A_121 = tpu.memref_slice %arg7[%dma_start3A_118] : memref<384xi32, #tpu.memory_space<vmem>> -> memref<48xi32, #tpu.memory_space<vmem>>
      %dma_start3A_122 = arith.constant 0 : i32
      %dma_start3A_123 = tpu.memref_slice %arg11[%dma_start3A_122] : memref<10000xi32, #tpu.memory_space<vmem_shared>> -> memref<10000xi32, #tpu.memory_space<vmem_shared>>
      tpu.enqueue_indirect_dma source(%dma_start3A_123 : memref<10000xi32, #tpu.memory_space<vmem_shared>>) target(%dma_start3A_120 : memref<48xi32, #tpu.memory_space<vmem>>) offsets(%dma_start3A_121 : memref<48xi32, #tpu.memory_space<vmem>>) semaphore(%arg14 : memref<!tpu.dma_semaphore, #tpu.memory_space<semaphore_mem>>)
      %dma_start3A_124 = arith.constant 96 : i32
      %dma_start3A_125 = arith.constant 0 : i32
      %dma_start3A_126 = arith.constant 96 : i32
      %dma_start3A_127 = arith.constant 0 : i32
      %dma_start3A_128 = tpu.memref_slice %arg8[%dma_start3A_125, %dma_start3A_126, %dma_start3A_127] : memref<2x192x128xf32, #tpu.memory_space<vmem>> -> memref<1x48x128xf32, #tpu.memory_space<vmem>>
      %dma_start3A_129 = tpu.memref_squeeze %dma_start3A_128 : memref<1x48x128xf32, #tpu.memory_space<vmem>> -> memref<48x128xf32, #tpu.memory_space<vmem>>
      %dma_start3A_130 = tpu.memref_slice %arg7[%dma_start3A_124] : memref<384xi32, #tpu.memory_space<vmem>> -> memref<48xi32, #tpu.memory_space<vmem>>
      %dma_start3A_131 = arith.constant 0 : i32
      %dma_start3A_132 = arith.constant 0 : i32
      %dma_start3A_133 = tpu.memref_slice %arg10[%dma_start3A_131, %dma_start3A_132] : memref<10000x128xf32, #tpu.memory_space<vmem_shared>> -> memref<10000x128xf32, #tpu.memory_space<vmem_shared>>
      tpu.enqueue_indirect_dma source(%dma_start3A_133 : memref<10000x128xf32, #tpu.memory_space<vmem_shared>>) target(%dma_start3A_129 : memref<48x128xf32, #tpu.memory_space<vmem>>) offsets(%dma_start3A_130 : memref<48xi32, #tpu.memory_space<vmem>>) semaphore(%arg14 : memref<!tpu.dma_semaphore, #tpu.memory_space<semaphore_mem>>)
      %dma_start3A_134 = arith.constant 96 : i32
      %dma_start3A_135 = arith.constant 96 : i32
      %dma_start3A_136 = tpu.memref_slice %arg9[%dma_start3A_135] : memref<384xi32, #tpu.memory_space<vmem>> -> memref<48xi32, #tpu.memory_space<vmem>>
      %dma_start3A_137 = tpu.memref_slice %arg7[%dma_start3A_134] : memref<384xi32, #tpu.memory_space<vmem>> -> memref<48xi32, #tpu.memory_space<vmem>>
      %dma_start3A_138 = arith.constant 0 : i32
      %dma_start3A_139 = tpu.memref_slice %arg11[%dma_start3A_138] : memref<10000xi32, #tpu.memory_space<vmem_shared>> -> memref<10000xi32, #tpu.memory_space<vmem_shared>>
      tpu.enqueue_indirect_dma source(%dma_start3A_139 : memref<10000xi32, #tpu.memory_space<vmem_shared>>) target(%dma_start3A_136 : memref<48xi32, #tpu.memory_space<vmem>>) offsets(%dma_start3A_137 : memref<48xi32, #tpu.memory_space<vmem>>) semaphore(%arg14 : memref<!tpu.dma_semaphore, #tpu.memory_space<semaphore_mem>>)
      %dma_start3A_140 = arith.constant 144 : i32
      %dma_start3A_141 = arith.constant 0 : i32
      %dma_start3A_142 = arith.constant 144 : i32
      %dma_start3A_143 = arith.constant 0 : i32
      %dma_start3A_144 = tpu.memref_slice %arg8[%dma_start3A_141, %dma_start3A_142, %dma_start3A_143] : memref<2x192x128xf32, #tpu.memory_space<vmem>> -> memref<1x48x128xf32, #tpu.memory_space<vmem>>
      %dma_start3A_145 = tpu.memref_squeeze %dma_start3A_144 : memref<1x48x128xf32, #tpu.memory_space<vmem>> -> memref<48x128xf32, #tpu.memory_space<vmem>>
      %dma_start3A_146 = tpu.memref_slice %arg7[%dma_start3A_140] : memref<384xi32, #tpu.memory_space<vmem>> -> memref<48xi32, #tpu.memory_space<vmem>>
      %dma_start3A_147 = arith.constant 0 : i32
      %dma_start3A_148 = arith.constant 0 : i32
      %dma_start3A_149 = tpu.memref_slice %arg10[%dma_start3A_147, %dma_start3A_148] : memref<10000x128xf32, #tpu.memory_space<vmem_shared>> -> memref<10000x128xf32, #tpu.memory_space<vmem_shared>>
      tpu.enqueue_indirect_dma source(%dma_start3A_149 : memref<10000x128xf32, #tpu.memory_space<vmem_shared>>) target(%dma_start3A_145 : memref<48x128xf32, #tpu.memory_space<vmem>>) offsets(%dma_start3A_146 : memref<48xi32, #tpu.memory_space<vmem>>) semaphore(%arg14 : memref<!tpu.dma_semaphore, #tpu.memory_space<semaphore_mem>>)
      %dma_start3A_150 = arith.constant 144 : i32
      %dma_start3A_151 = arith.constant 144 : i32
      %dma_start3A_152 = tpu.memref_slice %arg9[%dma_start3A_151] : memref<384xi32, #tpu.memory_space<vmem>> -> memref<48xi32, #tpu.memory_space<vmem>>
      %dma_start3A_153 = tpu.memref_slice %arg7[%dma_start3A_150] : memref<384xi32, #tpu.memory_space<vmem>> -> memref<48xi32, #tpu.memory_space<vmem>>
      %dma_start3A_154 = arith.constant 0 : i32
      %dma_start3A_155 = tpu.memref_slice %arg11[%dma_start3A_154] : memref<10000xi32, #tpu.memory_space<vmem_shared>> -> memref<10000xi32, #tpu.memory_space<vmem_shared>>
      tpu.enqueue_indirect_dma source(%dma_start3A_155 : memref<10000xi32, #tpu.memory_space<vmem_shared>>) target(%dma_start3A_152 : memref<48xi32, #tpu.memory_space<vmem>>) offsets(%dma_start3A_153 : memref<48xi32, #tpu.memory_space<vmem>>) semaphore(%arg14 : memref<!tpu.dma_semaphore, #tpu.memory_space<semaphore_mem>>)
      %dma_wait3A_156 = arith.constant 0 : i32
      %dma_wait3A_157 = arith.constant 0 : i32
      %dma_wait3A_158 = arith.constant 0 : i32
      %dma_wait3A_159 = arith.constant 0 : i32
      %dma_wait3A_160 = tpu.memref_slice %arg8[%dma_wait3A_157, %dma_wait3A_158, %dma_wait3A_159] : memref<2x192x128xf32, #tpu.memory_space<vmem>> -> memref<1x48x128xf32, #tpu.memory_space<vmem>>
      %dma_wait3A_161 = tpu.memref_squeeze %dma_wait3A_160 : memref<1x48x128xf32, #tpu.memory_space<vmem>> -> memref<48x128xf32, #tpu.memory_space<vmem>>
      %dma_wait3A_162 = tpu.memref_slice %arg7[%dma_wait3A_156] : memref<384xi32, #tpu.memory_space<vmem>> -> memref<48xi32, #tpu.memory_space<vmem>>
      %dma_wait3A_163 = arith.constant 0 : i32
      %dma_wait3A_164 = arith.constant 0 : i32
      %dma_wait3A_165 = tpu.memref_slice %arg10[%dma_wait3A_163, %dma_wait3A_164] : memref<10000x128xf32, #tpu.memory_space<vmem_shared>> -> memref<10000x128xf32, #tpu.memory_space<vmem_shared>>
      tpu.wait_indirect_dma semaphore(%arg14 : memref<!tpu.dma_semaphore, #tpu.memory_space<semaphore_mem>>) src(%dma_wait3A_165 : memref<10000x128xf32, #tpu.memory_space<vmem_shared>>) dst(%dma_wait3A_161 : memref<48x128xf32, #tpu.memory_space<vmem>>)
      %dma_wait3A_166 = arith.constant 0 : i32
      %dma_wait3A_167 = arith.constant 0 : i32
      %dma_wait3A_168 = tpu.memref_slice %arg9[%dma_wait3A_167] : memref<384xi32, #tpu.memory_space<vmem>> -> memref<48xi32, #tpu.memory_space<vmem>>
      %dma_wait3A_169 = tpu.memref_slice %arg7[%dma_wait3A_166] : memref<384xi32, #tpu.memory_space<vmem>> -> memref<48xi32, #tpu.memory_space<vmem>>
      %dma_wait3A_170 = arith.constant 0 : i32
      %dma_wait3A_171 = tpu.memref_slice %arg11[%dma_wait3A_170] : memref<10000xi32, #tpu.memory_space<vmem_shared>> -> memref<10000xi32, #tpu.memory_space<vmem_shared>>
      tpu.wait_indirect_dma semaphore(%arg14 : memref<!tpu.dma_semaphore, #tpu.memory_space<semaphore_mem>>) src(%dma_wait3A_171 : memref<10000xi32, #tpu.memory_space<vmem_shared>>) dst(%dma_wait3A_168 : memref<48xi32, #tpu.memory_space<vmem>>)
      %dma_wait3A_172 = arith.constant 48 : i32
      %dma_wait3A_173 = arith.constant 0 : i32
      %dma_wait3A_174 = arith.constant 48 : i32
      %dma_wait3A_175 = arith.constant 0 : i32
      %dma_wait3A_176 = tpu.memref_slice %arg8[%dma_wait3A_173, %dma_wait3A_174, %dma_wait3A_175] : memref<2x192x128xf32, #tpu.memory_space<vmem>> -> memref<1x48x128xf32, #tpu.memory_space<vmem>>
      %dma_wait3A_177 = tpu.memref_squeeze %dma_wait3A_176 : memref<1x48x128xf32, #tpu.memory_space<vmem>> -> memref<48x128xf32, #tpu.memory_space<vmem>>
      %dma_wait3A_178 = tpu.memref_slice %arg7[%dma_wait3A_172] : memref<384xi32, #tpu.memory_space<vmem>> -> memref<48xi32, #tpu.memory_space<vmem>>
      %dma_wait3A_179 = arith.constant 0 : i32
      %dma_wait3A_180 = arith.constant 0 : i32
      %dma_wait3A_181 = tpu.memref_slice %arg10[%dma_wait3A_179, %dma_wait3A_180] : memref<10000x128xf32, #tpu.memory_space<vmem_shared>> -> memref<10000x128xf32, #tpu.memory_space<vmem_shared>>
      tpu.wait_indirect_dma semaphore(%arg14 : memref<!tpu.dma_semaphore, #tpu.memory_space<semaphore_mem>>) src(%dma_wait3A_181 : memref<10000x128xf32, #tpu.memory_space<vmem_shared>>) dst(%dma_wait3A_177 : memref<48x128xf32, #tpu.memory_space<vmem>>)
      %dma_wait3A_182 = arith.constant 48 : i32
      %dma_wait3A_183 = arith.constant 48 : i32
      %dma_wait3A_184 = tpu.memref_slice %arg9[%dma_wait3A_183] : memref<384xi32, #tpu.memory_space<vmem>> -> memref<48xi32, #tpu.memory_space<vmem>>
      %dma_wait3A_185 = tpu.memref_slice %arg7[%dma_wait3A_182] : memref<384xi32, #tpu.memory_space<vmem>> -> memref<48xi32, #tpu.memory_space<vmem>>
      %dma_wait3A_186 = arith.constant 0 : i32
      %dma_wait3A_187 = tpu.memref_slice %arg11[%dma_wait3A_186] : memref<10000xi32, #tpu.memory_space<vmem_shared>> -> memref<10000xi32, #tpu.memory_space<vmem_shared>>
      tpu.wait_indirect_dma semaphore(%arg14 : memref<!tpu.dma_semaphore, #tpu.memory_space<semaphore_mem>>) src(%dma_wait3A_187 : memref<10000xi32, #tpu.memory_space<vmem_shared>>) dst(%dma_wait3A_184 : memref<48xi32, #tpu.memory_space<vmem>>)
      %dma_wait3A_188 = arith.constant 96 : i32
      %dma_wait3A_189 = arith.constant 0 : i32
      %dma_wait3A_190 = arith.constant 96 : i32
      %dma_wait3A_191 = arith.constant 0 : i32
      %dma_wait3A_192 = tpu.memref_slice %arg8[%dma_wait3A_189, %dma_wait3A_190, %dma_wait3A_191] : memref<2x192x128xf32, #tpu.memory_space<vmem>> -> memref<1x48x128xf32, #tpu.memory_space<vmem>>
      %dma_wait3A_193 = tpu.memref_squeeze %dma_wait3A_192 : memref<1x48x128xf32, #tpu.memory_space<vmem>> -> memref<48x128xf32, #tpu.memory_space<vmem>>
      %dma_wait3A_194 = tpu.memref_slice %arg7[%dma_wait3A_188] : memref<384xi32, #tpu.memory_space<vmem>> -> memref<48xi32, #tpu.memory_space<vmem>>
      %dma_wait3A_195 = arith.constant 0 : i32
      %dma_wait3A_196 = arith.constant 0 : i32
      %dma_wait3A_197 = tpu.memref_slice %arg10[%dma_wait3A_195, %dma_wait3A_196] : memref<10000x128xf32, #tpu.memory_space<vmem_shared>> -> memref<10000x128xf32, #tpu.memory_space<vmem_shared>>
      tpu.wait_indirect_dma semaphore(%arg14 : memref<!tpu.dma_semaphore, #tpu.memory_space<semaphore_mem>>) src(%dma_wait3A_197 : memref<10000x128xf32, #tpu.memory_space<vmem_shared>>) dst(%dma_wait3A_193 : memref<48x128xf32, #tpu.memory_space<vmem>>)
      %dma_wait3A_198 = arith.constant 96 : i32
      %dma_wait3A_199 = arith.constant 96 : i32
      %dma_wait3A_200 = tpu.memref_slice %arg9[%dma_wait3A_199] : memref<384xi32, #tpu.memory_space<vmem>> -> memref<48xi32, #tpu.memory_space<vmem>>
      %dma_wait3A_201 = tpu.memref_slice %arg7[%dma_wait3A_198] : memref<384xi32, #tpu.memory_space<vmem>> -> memref<48xi32, #tpu.memory_space<vmem>>
      %dma_wait3A_202 = arith.constant 0 : i32
      %dma_wait3A_203 = tpu.memref_slice %arg11[%dma_wait3A_202] : memref<10000xi32, #tpu.memory_space<vmem_shared>> -> memref<10000xi32, #tpu.memory_space<vmem_shared>>
      tpu.wait_indirect_dma semaphore(%arg14 : memref<!tpu.dma_semaphore, #tpu.memory_space<semaphore_mem>>) src(%dma_wait3A_203 : memref<10000xi32, #tpu.memory_space<vmem_shared>>) dst(%dma_wait3A_200 : memref<48xi32, #tpu.memory_space<vmem>>)
      %dma_wait3A_204 = arith.constant 144 : i32
      %dma_wait3A_205 = arith.constant 0 : i32
      %dma_wait3A_206 = arith.constant 144 : i32
      %dma_wait3A_207 = arith.constant 0 : i32
      %dma_wait3A_208 = tpu.memref_slice %arg8[%dma_wait3A_205, %dma_wait3A_206, %dma_wait3A_207] : memref<2x192x128xf32, #tpu.memory_space<vmem>> -> memref<1x48x128xf32, #tpu.memory_space<vmem>>
      %dma_wait3A_209 = tpu.memref_squeeze %dma_wait3A_208 : memref<1x48x128xf32, #tpu.memory_space<vmem>> -> memref<48x128xf32, #tpu.memory_space<vmem>>
      %dma_wait3A_210 = tpu.memref_slice %arg7[%dma_wait3A_204] : memref<384xi32, #tpu.memory_space<vmem>> -> memref<48xi32, #tpu.memory_space<vmem>>
      %dma_wait3A_211 = arith.constant 0 : i32
      %dma_wait3A_212 = arith.constant 0 : i32
      %dma_wait3A_213 = tpu.memref_slice %arg10[%dma_wait3A_211, %dma_wait3A_212] : memref<10000x128xf32, #tpu.memory_space<vmem_shared>> -> memref<10000x128xf32, #tpu.memory_space<vmem_shared>>
      tpu.wait_indirect_dma semaphore(%arg14 : memref<!tpu.dma_semaphore, #tpu.memory_space<semaphore_mem>>) src(%dma_wait3A_213 : memref<10000x128xf32, #tpu.memory_space<vmem_shared>>) dst(%dma_wait3A_209 : memref<48x128xf32, #tpu.memory_space<vmem>>)
      %dma_wait3A_214 = arith.constant 144 : i32
      %dma_wait3A_215 = arith.constant 144 : i32
      %dma_wait3A_216 = tpu.memref_slice %arg9[%dma_wait3A_215] : memref<384xi32, #tpu.memory_space<vmem>> -> memref<48xi32, #tpu.memory_space<vmem>>
      %dma_wait3A_217 = tpu.memref_slice %arg7[%dma_wait3A_214] : memref<384xi32, #tpu.memory_space<vmem>> -> memref<48xi32, #tpu.memory_space<vmem>>
      %dma_wait3A_218 = arith.constant 0 : i32
      %dma_wait3A_219 = tpu.memref_slice %arg11[%dma_wait3A_218] : memref<10000xi32, #tpu.memory_space<vmem_shared>> -> memref<10000xi32, #tpu.memory_space<vmem_shared>>
      tpu.wait_indirect_dma semaphore(%arg14 : memref<!tpu.dma_semaphore, #tpu.memory_space<semaphore_mem>>) src(%dma_wait3A_219 : memref<10000xi32, #tpu.memory_space<vmem_shared>>) dst(%dma_wait3A_216 : memref<48xi32, #tpu.memory_space<vmem>>)
      %lt3A_220 = arith.constant 39 : i32
      %lt3A_221 = arith.cmpi slt, %while3A_74, %lt3A_220 : i32
      %convert_element_type3A_222 = arith.extui %lt3A_221 : i1 to i32
      %cond3A_223 = arith.constant 0 : i32
      %cond3A_224 = arith.constant 0 : i32
      %cond3A_225 = arith.cmpi ne, %convert_element_type3A_222, %cond3A_224 : i32
      scf.if %cond3A_225 {
        %add3A_414 = arith.constant 384 : i32
        %add3A_415 = arith.addi %add3A_81, %add3A_414 : i32
        %dma_start3A_416 = tpu.memref_slice %arg7[%cond3A_223] : memref<384xi32, #tpu.memory_space<vmem>> -> memref<192xi32, #tpu.memory_space<vmem>>
        %dma_start3A_417 = tpu.memref_slice %arg3[%add3A_415] : memref<490000xi32, #tpu.memory_space<hbm>> -> memref<192xi32, #tpu.memory_space<hbm>>
        %dma_start3A_418 = tpu.memref_slice %arg7[%cond3A_223] : memref<384xi32, #tpu.memory_space<vmem>> -> memref<192xi32, #tpu.memory_space<vmem>>
        %dma_start3A_419 = tpu.memref_slice %arg3[%add3A_415] : memref<490000xi32, #tpu.memory_space<hbm>> -> memref<192xi32, #tpu.memory_space<hbm>>
        tpu.enqueue_dma source(%dma_start3A_419 : memref<192xi32, #tpu.memory_space<hbm>>) target(%dma_start3A_418 : memref<192xi32, #tpu.memory_space<vmem>>) target_semaphore(%arg12 : memref<!tpu.dma_semaphore, #tpu.memory_space<semaphore_mem>>)
      } else {
      }
      %dma_start3A_226 = arith.constant 0 : i32
      %dma_start3A_227 = arith.constant 0 : i32
      %dma_start3A_228 = arith.constant 0 : i32
      %dma_start3A_229 = tpu.memref_slice %arg8[%dma_start3A_226, %dma_start3A_227, %dma_start3A_228] : memref<2x192x128xf32, #tpu.memory_space<vmem>> -> memref<1x192x128xf32, #tpu.memory_space<vmem>>
      %dma_start3A_230 = tpu.memref_squeeze %dma_start3A_229 : memref<1x192x128xf32, #tpu.memory_space<vmem>> -> memref<192x128xf32, #tpu.memory_space<vmem>>
      %dma_start3A_231 = arith.constant 0 : i32
      %dma_start3A_232 = tpu.memref_slice %arg5[%add3A_81, %dma_start3A_231] : memref<490000x128xf32, #tpu.memory_space<hbm>> -> memref<192x128xf32, #tpu.memory_space<hbm>>
      %dma_start3A_233 = arith.constant 0 : i32
      %dma_start3A_234 = tpu.memref_slice %arg5[%add3A_81, %dma_start3A_233] : memref<490000x128xf32, #tpu.memory_space<hbm>> -> memref<192x128xf32, #tpu.memory_space<hbm>>
      %dma_start3A_235 = arith.constant 0 : i32
      %dma_start3A_236 = arith.constant 0 : i32
      %dma_start3A_237 = tpu.memref_slice %arg8[%dma_start3A_226, %dma_start3A_235, %dma_start3A_236] : memref<2x192x128xf32, #tpu.memory_space<vmem>> -> memref<1x192x128xf32, #tpu.memory_space<vmem>>
      %dma_start3A_238 = tpu.memref_squeeze %dma_start3A_237 : memref<1x192x128xf32, #tpu.memory_space<vmem>> -> memref<192x128xf32, #tpu.memory_space<vmem>>
      tpu.enqueue_dma source(%dma_start3A_238 : memref<192x128xf32, #tpu.memory_space<vmem>>) target(%dma_start3A_234 : memref<192x128xf32, #tpu.memory_space<hbm>>) target_semaphore(%arg16 : memref<!tpu.dma_semaphore, #tpu.memory_space<semaphore_mem>>)
      %dma_start3A_239 = arith.constant 0 : i32
      %dma_start3A_240 = tpu.memref_slice %arg9[%dma_start3A_239] : memref<384xi32, #tpu.memory_space<vmem>> -> memref<192xi32, #tpu.memory_space<vmem>>
      %dma_start3A_241 = tpu.memref_slice %arg6[%add3A_81] : memref<490000xi32, #tpu.memory_space<hbm>> -> memref<192xi32, #tpu.memory_space<hbm>>
      %dma_start3A_242 = tpu.memref_slice %arg6[%add3A_81] : memref<490000xi32, #tpu.memory_space<hbm>> -> memref<192xi32, #tpu.memory_space<hbm>>
      %dma_start3A_243 = tpu.memref_slice %arg9[%dma_start3A_239] : memref<384xi32, #tpu.memory_space<vmem>> -> memref<192xi32, #tpu.memory_space<vmem>>
      tpu.enqueue_dma source(%dma_start3A_243 : memref<192xi32, #tpu.memory_space<vmem>>) target(%dma_start3A_242 : memref<192xi32, #tpu.memory_space<hbm>>) target_semaphore(%arg16 : memref<!tpu.dma_semaphore, #tpu.memory_space<semaphore_mem>>)
      %mul3A_244 = arith.constant 2 : i32
      %mul3A_245 = arith.muli %while3A_74, %mul3A_244 : i32
      %add3A_246 = arith.constant 1 : i32
      %add3A_247 = arith.addi %mul3A_245, %add3A_246 : i32
      %mul3A_248 = arith.constant 192 : i32
      %mul3A_249 = arith.muli %add3A_247, %mul3A_248 : i32
      %add3A_250 = arith.addi %min3A_3, %mul3A_249 : i32
      %gt3A_251 = arith.constant 0 : i32
      %gt3A_252 = arith.cmpi sgt, %while3A_74, %gt3A_251 : i32
      %convert_element_type3A_253 = arith.extui %gt3A_252 : i1 to i32
      %cond3A_254 = arith.constant 0 : i32
      %cond3A_255 = arith.cmpi ne, %convert_element_type3A_253, %cond3A_254 : i32
      scf.if %cond3A_255 {
        %dma_wait3A_414 = arith.constant 1 : i32
        %dma_wait3A_415 = arith.constant 0 : i32
        %dma_wait3A_416 = arith.constant 0 : i32
        %dma_wait3A_417 = arith.constant 0 : i32
        %dma_wait3A_418 = tpu.memref_slice %arg8[%dma_wait3A_414, %dma_wait3A_416, %dma_wait3A_417] : memref<2x192x128xf32, #tpu.memory_space<vmem>> -> memref<1x192x128xf32, #tpu.memory_space<vmem>>
        %dma_wait3A_419 = tpu.memref_squeeze %dma_wait3A_418 : memref<1x192x128xf32, #tpu.memory_space<vmem>> -> memref<192x128xf32, #tpu.memory_space<vmem>>
        %dma_wait3A_420 = arith.constant 0 : i32
        %dma_wait3A_421 = tpu.memref_slice %arg5[%dma_wait3A_415, %dma_wait3A_420] : memref<490000x128xf32, #tpu.memory_space<hbm>> -> memref<192x128xf32, #tpu.memory_space<hbm>>
        %dma_wait3A_422 = arith.constant 0 : i32
        %dma_wait3A_423 = tpu.memref_slice %arg5[%dma_wait3A_415, %dma_wait3A_422] : memref<490000x128xf32, #tpu.memory_space<hbm>> -> memref<192x128xf32, #tpu.memory_space<hbm>>
        %dma_wait3A_424 = arith.constant 0 : i32
        %dma_wait3A_425 = arith.constant 0 : i32
        %dma_wait3A_426 = tpu.memref_slice %arg8[%dma_wait3A_414, %dma_wait3A_424, %dma_wait3A_425] : memref<2x192x128xf32, #tpu.memory_space<vmem>> -> memref<1x192x128xf32, #tpu.memory_space<vmem>>
        %dma_wait3A_427 = tpu.memref_squeeze %dma_wait3A_426 : memref<1x192x128xf32, #tpu.memory_space<vmem>> -> memref<192x128xf32, #tpu.memory_space<vmem>>
        tpu.wait_dma2 semaphore(%arg17 : memref<!tpu.dma_semaphore, #tpu.memory_space<semaphore_mem>>) src(%dma_wait3A_427 : memref<192x128xf32, #tpu.memory_space<vmem>>) dst(%dma_wait3A_423 : memref<192x128xf32, #tpu.memory_space<hbm>>)
        %dma_wait3A_428 = arith.constant 192 : i32
        %dma_wait3A_429 = arith.constant 0 : i32
        %dma_wait3A_430 = tpu.memref_slice %arg9[%dma_wait3A_428] : memref<384xi32, #tpu.memory_space<vmem>> -> memref<192xi32, #tpu.memory_space<vmem>>
        %dma_wait3A_431 = tpu.memref_slice %arg6[%dma_wait3A_429] : memref<490000xi32, #tpu.memory_space<hbm>> -> memref<192xi32, #tpu.memory_space<hbm>>
        %dma_wait3A_432 = tpu.memref_slice %arg6[%dma_wait3A_429] : memref<490000xi32, #tpu.memory_space<hbm>> -> memref<192xi32, #tpu.memory_space<hbm>>
        %dma_wait3A_433 = tpu.memref_slice %arg9[%dma_wait3A_428] : memref<384xi32, #tpu.memory_space<vmem>> -> memref<192xi32, #tpu.memory_space<vmem>>
        tpu.wait_dma2 semaphore(%arg17 : memref<!tpu.dma_semaphore, #tpu.memory_space<semaphore_mem>>) src(%dma_wait3A_433 : memref<192xi32, #tpu.memory_space<vmem>>) dst(%dma_wait3A_432 : memref<192xi32, #tpu.memory_space<hbm>>)
      } else {
      }
      %dma_wait3A_256 = arith.constant 0 : i32
      %dma_wait3A_257 = arith.constant 192 : i32
      %dma_wait3A_258 = tpu.memref_slice %arg7[%dma_wait3A_257] : memref<384xi32, #tpu.memory_space<vmem>> -> memref<192xi32, #tpu.memory_space<vmem>>
      %dma_wait3A_259 = tpu.memref_slice %arg3[%dma_wait3A_256] : memref<490000xi32, #tpu.memory_space<hbm>> -> memref<192xi32, #tpu.memory_space<hbm>>
      %dma_wait3A_260 = tpu.memref_slice %arg7[%dma_wait3A_257] : memref<384xi32, #tpu.memory_space<vmem>> -> memref<192xi32, #tpu.memory_space<vmem>>
      %dma_wait3A_261 = tpu.memref_slice %arg3[%dma_wait3A_256] : memref<490000xi32, #tpu.memory_space<hbm>> -> memref<192xi32, #tpu.memory_space<hbm>>
      tpu.wait_dma2 semaphore(%arg13 : memref<!tpu.dma_semaphore, #tpu.memory_space<semaphore_mem>>) src(%dma_wait3A_261 : memref<192xi32, #tpu.memory_space<hbm>>) dst(%dma_wait3A_260 : memref<192xi32, #tpu.memory_space<vmem>>)
      %dma_start3A_262 = arith.constant 192 : i32
      %dma_start3A_263 = arith.constant 1 : i32
      %dma_start3A_264 = arith.constant 0 : i32
      %dma_start3A_265 = arith.constant 0 : i32
      %dma_start3A_266 = tpu.memref_slice %arg8[%dma_start3A_263, %dma_start3A_264, %dma_start3A_265] : memref<2x192x128xf32, #tpu.memory_space<vmem>> -> memref<1x48x128xf32, #tpu.memory_space<vmem>>
      %dma_start3A_267 = tpu.memref_squeeze %dma_start3A_266 : memref<1x48x128xf32, #tpu.memory_space<vmem>> -> memref<48x128xf32, #tpu.memory_space<vmem>>
      %dma_start3A_268 = tpu.memref_slice %arg7[%dma_start3A_262] : memref<384xi32, #tpu.memory_space<vmem>> -> memref<48xi32, #tpu.memory_space<vmem>>
      %dma_start3A_269 = arith.constant 0 : i32
      %dma_start3A_270 = arith.constant 0 : i32
      %dma_start3A_271 = tpu.memref_slice %arg10[%dma_start3A_269, %dma_start3A_270] : memref<10000x128xf32, #tpu.memory_space<vmem_shared>> -> memref<10000x128xf32, #tpu.memory_space<vmem_shared>>
      tpu.enqueue_indirect_dma source(%dma_start3A_271 : memref<10000x128xf32, #tpu.memory_space<vmem_shared>>) target(%dma_start3A_267 : memref<48x128xf32, #tpu.memory_space<vmem>>) offsets(%dma_start3A_268 : memref<48xi32, #tpu.memory_space<vmem>>) semaphore(%arg15 : memref<!tpu.dma_semaphore, #tpu.memory_space<semaphore_mem>>)
      %dma_start3A_272 = arith.constant 192 : i32
      %dma_start3A_273 = arith.constant 192 : i32
      %dma_start3A_274 = tpu.memref_slice %arg9[%dma_start3A_273] : memref<384xi32, #tpu.memory_space<vmem>> -> memref<48xi32, #tpu.memory_space<vmem>>
      %dma_start3A_275 = tpu.memref_slice %arg7[%dma_start3A_272] : memref<384xi32, #tpu.memory_space<vmem>> -> memref<48xi32, #tpu.memory_space<vmem>>
      %dma_start3A_276 = arith.constant 0 : i32
      %dma_start3A_277 = tpu.memref_slice %arg11[%dma_start3A_276] : memref<10000xi32, #tpu.memory_space<vmem_shared>> -> memref<10000xi32, #tpu.memory_space<vmem_shared>>
      tpu.enqueue_indirect_dma source(%dma_start3A_277 : memref<10000xi32, #tpu.memory_space<vmem_shared>>) target(%dma_start3A_274 : memref<48xi32, #tpu.memory_space<vmem>>) offsets(%dma_start3A_275 : memref<48xi32, #tpu.memory_space<vmem>>) semaphore(%arg15 : memref<!tpu.dma_semaphore, #tpu.memory_space<semaphore_mem>>)
      %dma_start3A_278 = arith.constant 240 : i32
      %dma_start3A_279 = arith.constant 1 : i32
      %dma_start3A_280 = arith.constant 48 : i32
      %dma_start3A_281 = arith.constant 0 : i32
      %dma_start3A_282 = tpu.memref_slice %arg8[%dma_start3A_279, %dma_start3A_280, %dma_start3A_281] : memref<2x192x128xf32, #tpu.memory_space<vmem>> -> memref<1x48x128xf32, #tpu.memory_space<vmem>>
      %dma_start3A_283 = tpu.memref_squeeze %dma_start3A_282 : memref<1x48x128xf32, #tpu.memory_space<vmem>> -> memref<48x128xf32, #tpu.memory_space<vmem>>
      %dma_start3A_284 = tpu.memref_slice %arg7[%dma_start3A_278] : memref<384xi32, #tpu.memory_space<vmem>> -> memref<48xi32, #tpu.memory_space<vmem>>
      %dma_start3A_285 = arith.constant 0 : i32
      %dma_start3A_286 = arith.constant 0 : i32
      %dma_start3A_287 = tpu.memref_slice %arg10[%dma_start3A_285, %dma_start3A_286] : memref<10000x128xf32, #tpu.memory_space<vmem_shared>> -> memref<10000x128xf32, #tpu.memory_space<vmem_shared>>
      tpu.enqueue_indirect_dma source(%dma_start3A_287 : memref<10000x128xf32, #tpu.memory_space<vmem_shared>>) target(%dma_start3A_283 : memref<48x128xf32, #tpu.memory_space<vmem>>) offsets(%dma_start3A_284 : memref<48xi32, #tpu.memory_space<vmem>>) semaphore(%arg15 : memref<!tpu.dma_semaphore, #tpu.memory_space<semaphore_mem>>)
      %dma_start3A_288 = arith.constant 240 : i32
      %dma_start3A_289 = arith.constant 240 : i32
      %dma_start3A_290 = tpu.memref_slice %arg9[%dma_start3A_289] : memref<384xi32, #tpu.memory_space<vmem>> -> memref<48xi32, #tpu.memory_space<vmem>>
      %dma_start3A_291 = tpu.memref_slice %arg7[%dma_start3A_288] : memref<384xi32, #tpu.memory_space<vmem>> -> memref<48xi32, #tpu.memory_space<vmem>>
      %dma_start3A_292 = arith.constant 0 : i32
      %dma_start3A_293 = tpu.memref_slice %arg11[%dma_start3A_292] : memref<10000xi32, #tpu.memory_space<vmem_shared>> -> memref<10000xi32, #tpu.memory_space<vmem_shared>>
      tpu.enqueue_indirect_dma source(%dma_start3A_293 : memref<10000xi32, #tpu.memory_space<vmem_shared>>) target(%dma_start3A_290 : memref<48xi32, #tpu.memory_space<vmem>>) offsets(%dma_start3A_291 : memref<48xi32, #tpu.memory_space<vmem>>) semaphore(%arg15 : memref<!tpu.dma_semaphore, #tpu.memory_space<semaphore_mem>>)
      %dma_start3A_294 = arith.constant 288 : i32
      %dma_start3A_295 = arith.constant 1 : i32
      %dma_start3A_296 = arith.constant 96 : i32
      %dma_start3A_297 = arith.constant 0 : i32
      %dma_start3A_298 = tpu.memref_slice %arg8[%dma_start3A_295, %dma_start3A_296, %dma_start3A_297] : memref<2x192x128xf32, #tpu.memory_space<vmem>> -> memref<1x48x128xf32, #tpu.memory_space<vmem>>
      %dma_start3A_299 = tpu.memref_squeeze %dma_start3A_298 : memref<1x48x128xf32, #tpu.memory_space<vmem>> -> memref<48x128xf32, #tpu.memory_space<vmem>>
      %dma_start3A_300 = tpu.memref_slice %arg7[%dma_start3A_294] : memref<384xi32, #tpu.memory_space<vmem>> -> memref<48xi32, #tpu.memory_space<vmem>>
      %dma_start3A_301 = arith.constant 0 : i32
      %dma_start3A_302 = arith.constant 0 : i32
      %dma_start3A_303 = tpu.memref_slice %arg10[%dma_start3A_301, %dma_start3A_302] : memref<10000x128xf32, #tpu.memory_space<vmem_shared>> -> memref<10000x128xf32, #tpu.memory_space<vmem_shared>>
      tpu.enqueue_indirect_dma source(%dma_start3A_303 : memref<10000x128xf32, #tpu.memory_space<vmem_shared>>) target(%dma_start3A_299 : memref<48x128xf32, #tpu.memory_space<vmem>>) offsets(%dma_start3A_300 : memref<48xi32, #tpu.memory_space<vmem>>) semaphore(%arg15 : memref<!tpu.dma_semaphore, #tpu.memory_space<semaphore_mem>>)
      %dma_start3A_304 = arith.constant 288 : i32
      %dma_start3A_305 = arith.constant 288 : i32
      %dma_start3A_306 = tpu.memref_slice %arg9[%dma_start3A_305] : memref<384xi32, #tpu.memory_space<vmem>> -> memref<48xi32, #tpu.memory_space<vmem>>
      %dma_start3A_307 = tpu.memref_slice %arg7[%dma_start3A_304] : memref<384xi32, #tpu.memory_space<vmem>> -> memref<48xi32, #tpu.memory_space<vmem>>
      %dma_start3A_308 = arith.constant 0 : i32
      %dma_start3A_309 = tpu.memref_slice %arg11[%dma_start3A_308] : memref<10000xi32, #tpu.memory_space<vmem_shared>> -> memref<10000xi32, #tpu.memory_space<vmem_shared>>
      tpu.enqueue_indirect_dma source(%dma_start3A_309 : memref<10000xi32, #tpu.memory_space<vmem_shared>>) target(%dma_start3A_306 : memref<48xi32, #tpu.memory_space<vmem>>) offsets(%dma_start3A_307 : memref<48xi32, #tpu.memory_space<vmem>>) semaphore(%arg15 : memref<!tpu.dma_semaphore, #tpu.memory_space<semaphore_mem>>)
      %dma_start3A_310 = arith.constant 336 : i32
      %dma_start3A_311 = arith.constant 1 : i32
      %dma_start3A_312 = arith.constant 144 : i32
      %dma_start3A_313 = arith.constant 0 : i32
      %dma_start3A_314 = tpu.memref_slice %arg8[%dma_start3A_311, %dma_start3A_312, %dma_start3A_313] : memref<2x192x128xf32, #tpu.memory_space<vmem>> -> memref<1x48x128xf32, #tpu.memory_space<vmem>>
      %dma_start3A_315 = tpu.memref_squeeze %dma_start3A_314 : memref<1x48x128xf32, #tpu.memory_space<vmem>> -> memref<48x128xf32, #tpu.memory_space<vmem>>
      %dma_start3A_316 = tpu.memref_slice %arg7[%dma_start3A_310] : memref<384xi32, #tpu.memory_space<vmem>> -> memref<48xi32, #tpu.memory_space<vmem>>
      %dma_start3A_317 = arith.constant 0 : i32
      %dma_start3A_318 = arith.constant 0 : i32
      %dma_start3A_319 = tpu.memref_slice %arg10[%dma_start3A_317, %dma_start3A_318] : memref<10000x128xf32, #tpu.memory_space<vmem_shared>> -> memref<10000x128xf32, #tpu.memory_space<vmem_shared>>
      tpu.enqueue_indirect_dma source(%dma_start3A_319 : memref<10000x128xf32, #tpu.memory_space<vmem_shared>>) target(%dma_start3A_315 : memref<48x128xf32, #tpu.memory_space<vmem>>) offsets(%dma_start3A_316 : memref<48xi32, #tpu.memory_space<vmem>>) semaphore(%arg15 : memref<!tpu.dma_semaphore, #tpu.memory_space<semaphore_mem>>)
      %dma_start3A_320 = arith.constant 336 : i32
      %dma_start3A_321 = arith.constant 336 : i32
      %dma_start3A_322 = tpu.memref_slice %arg9[%dma_start3A_321] : memref<384xi32, #tpu.memory_space<vmem>> -> memref<48xi32, #tpu.memory_space<vmem>>
      %dma_start3A_323 = tpu.memref_slice %arg7[%dma_start3A_320] : memref<384xi32, #tpu.memory_space<vmem>> -> memref<48xi32, #tpu.memory_space<vmem>>
      %dma_start3A_324 = arith.constant 0 : i32
      %dma_start3A_325 = tpu.memref_slice %arg11[%dma_start3A_324] : memref<10000xi32, #tpu.memory_space<vmem_shared>> -> memref<10000xi32, #tpu.memory_space<vmem_shared>>
      tpu.enqueue_indirect_dma source(%dma_start3A_325 : memref<10000xi32, #tpu.memory_space<vmem_shared>>) target(%dma_start3A_322 : memref<48xi32, #tpu.memory_space<vmem>>) offsets(%dma_start3A_323 : memref<48xi32, #tpu.memory_space<vmem>>) semaphore(%arg15 : memref<!tpu.dma_semaphore, #tpu.memory_space<semaphore_mem>>)
      %dma_wait3A_326 = arith.constant 192 : i32
      %dma_wait3A_327 = arith.constant 1 : i32
      %dma_wait3A_328 = arith.constant 0 : i32
      %dma_wait3A_329 = arith.constant 0 : i32
      %dma_wait3A_330 = tpu.memref_slice %arg8[%dma_wait3A_327, %dma_wait3A_328, %dma_wait3A_329] : memref<2x192x128xf32, #tpu.memory_space<vmem>> -> memref<1x48x128xf32, #tpu.memory_space<vmem>>
      %dma_wait3A_331 = tpu.memref_squeeze %dma_wait3A_330 : memref<1x48x128xf32, #tpu.memory_space<vmem>> -> memref<48x128xf32, #tpu.memory_space<vmem>>
      %dma_wait3A_332 = tpu.memref_slice %arg7[%dma_wait3A_326] : memref<384xi32, #tpu.memory_space<vmem>> -> memref<48xi32, #tpu.memory_space<vmem>>
      %dma_wait3A_333 = arith.constant 0 : i32
      %dma_wait3A_334 = arith.constant 0 : i32
      %dma_wait3A_335 = tpu.memref_slice %arg10[%dma_wait3A_333, %dma_wait3A_334] : memref<10000x128xf32, #tpu.memory_space<vmem_shared>> -> memref<10000x128xf32, #tpu.memory_space<vmem_shared>>
      tpu.wait_indirect_dma semaphore(%arg15 : memref<!tpu.dma_semaphore, #tpu.memory_space<semaphore_mem>>) src(%dma_wait3A_335 : memref<10000x128xf32, #tpu.memory_space<vmem_shared>>) dst(%dma_wait3A_331 : memref<48x128xf32, #tpu.memory_space<vmem>>)
      %dma_wait3A_336 = arith.constant 192 : i32
      %dma_wait3A_337 = arith.constant 192 : i32
      %dma_wait3A_338 = tpu.memref_slice %arg9[%dma_wait3A_337] : memref<384xi32, #tpu.memory_space<vmem>> -> memref<48xi32, #tpu.memory_space<vmem>>
      %dma_wait3A_339 = tpu.memref_slice %arg7[%dma_wait3A_336] : memref<384xi32, #tpu.memory_space<vmem>> -> memref<48xi32, #tpu.memory_space<vmem>>
      %dma_wait3A_340 = arith.constant 0 : i32
      %dma_wait3A_341 = tpu.memref_slice %arg11[%dma_wait3A_340] : memref<10000xi32, #tpu.memory_space<vmem_shared>> -> memref<10000xi32, #tpu.memory_space<vmem_shared>>
      tpu.wait_indirect_dma semaphore(%arg15 : memref<!tpu.dma_semaphore, #tpu.memory_space<semaphore_mem>>) src(%dma_wait3A_341 : memref<10000xi32, #tpu.memory_space<vmem_shared>>) dst(%dma_wait3A_338 : memref<48xi32, #tpu.memory_space<vmem>>)
      %dma_wait3A_342 = arith.constant 240 : i32
      %dma_wait3A_343 = arith.constant 1 : i32
      %dma_wait3A_344 = arith.constant 48 : i32
      %dma_wait3A_345 = arith.constant 0 : i32
      %dma_wait3A_346 = tpu.memref_slice %arg8[%dma_wait3A_343, %dma_wait3A_344, %dma_wait3A_345] : memref<2x192x128xf32, #tpu.memory_space<vmem>> -> memref<1x48x128xf32, #tpu.memory_space<vmem>>
      %dma_wait3A_347 = tpu.memref_squeeze %dma_wait3A_346 : memref<1x48x128xf32, #tpu.memory_space<vmem>> -> memref<48x128xf32, #tpu.memory_space<vmem>>
      %dma_wait3A_348 = tpu.memref_slice %arg7[%dma_wait3A_342] : memref<384xi32, #tpu.memory_space<vmem>> -> memref<48xi32, #tpu.memory_space<vmem>>
      %dma_wait3A_349 = arith.constant 0 : i32
      %dma_wait3A_350 = arith.constant 0 : i32
      %dma_wait3A_351 = tpu.memref_slice %arg10[%dma_wait3A_349, %dma_wait3A_350] : memref<10000x128xf32, #tpu.memory_space<vmem_shared>> -> memref<10000x128xf32, #tpu.memory_space<vmem_shared>>
      tpu.wait_indirect_dma semaphore(%arg15 : memref<!tpu.dma_semaphore, #tpu.memory_space<semaphore_mem>>) src(%dma_wait3A_351 : memref<10000x128xf32, #tpu.memory_space<vmem_shared>>) dst(%dma_wait3A_347 : memref<48x128xf32, #tpu.memory_space<vmem>>)
      %dma_wait3A_352 = arith.constant 240 : i32
      %dma_wait3A_353 = arith.constant 240 : i32
      %dma_wait3A_354 = tpu.memref_slice %arg9[%dma_wait3A_353] : memref<384xi32, #tpu.memory_space<vmem>> -> memref<48xi32, #tpu.memory_space<vmem>>
      %dma_wait3A_355 = tpu.memref_slice %arg7[%dma_wait3A_352] : memref<384xi32, #tpu.memory_space<vmem>> -> memref<48xi32, #tpu.memory_space<vmem>>
      %dma_wait3A_356 = arith.constant 0 : i32
      %dma_wait3A_357 = tpu.memref_slice %arg11[%dma_wait3A_356] : memref<10000xi32, #tpu.memory_space<vmem_shared>> -> memref<10000xi32, #tpu.memory_space<vmem_shared>>
      tpu.wait_indirect_dma semaphore(%arg15 : memref<!tpu.dma_semaphore, #tpu.memory_space<semaphore_mem>>) src(%dma_wait3A_357 : memref<10000xi32, #tpu.memory_space<vmem_shared>>) dst(%dma_wait3A_354 : memref<48xi32, #tpu.memory_space<vmem>>)
      %dma_wait3A_358 = arith.constant 288 : i32
      %dma_wait3A_359 = arith.constant 1 : i32
      %dma_wait3A_360 = arith.constant 96 : i32
      %dma_wait3A_361 = arith.constant 0 : i32
      %dma_wait3A_362 = tpu.memref_slice %arg8[%dma_wait3A_359, %dma_wait3A_360, %dma_wait3A_361] : memref<2x192x128xf32, #tpu.memory_space<vmem>> -> memref<1x48x128xf32, #tpu.memory_space<vmem>>
      %dma_wait3A_363 = tpu.memref_squeeze %dma_wait3A_362 : memref<1x48x128xf32, #tpu.memory_space<vmem>> -> memref<48x128xf32, #tpu.memory_space<vmem>>
      %dma_wait3A_364 = tpu.memref_slice %arg7[%dma_wait3A_358] : memref<384xi32, #tpu.memory_space<vmem>> -> memref<48xi32, #tpu.memory_space<vmem>>
      %dma_wait3A_365 = arith.constant 0 : i32
      %dma_wait3A_366 = arith.constant 0 : i32
      %dma_wait3A_367 = tpu.memref_slice %arg10[%dma_wait3A_365, %dma_wait3A_366] : memref<10000x128xf32, #tpu.memory_space<vmem_shared>> -> memref<10000x128xf32, #tpu.memory_space<vmem_shared>>
      tpu.wait_indirect_dma semaphore(%arg15 : memref<!tpu.dma_semaphore, #tpu.memory_space<semaphore_mem>>) src(%dma_wait3A_367 : memref<10000x128xf32, #tpu.memory_space<vmem_shared>>) dst(%dma_wait3A_363 : memref<48x128xf32, #tpu.memory_space<vmem>>)
      %dma_wait3A_368 = arith.constant 288 : i32
      %dma_wait3A_369 = arith.constant 288 : i32
      %dma_wait3A_370 = tpu.memref_slice %arg9[%dma_wait3A_369] : memref<384xi32, #tpu.memory_space<vmem>> -> memref<48xi32, #tpu.memory_space<vmem>>
      %dma_wait3A_371 = tpu.memref_slice %arg7[%dma_wait3A_368] : memref<384xi32, #tpu.memory_space<vmem>> -> memref<48xi32, #tpu.memory_space<vmem>>
      %dma_wait3A_372 = arith.constant 0 : i32
      %dma_wait3A_373 = tpu.memref_slice %arg11[%dma_wait3A_372] : memref<10000xi32, #tpu.memory_space<vmem_shared>> -> memref<10000xi32, #tpu.memory_space<vmem_shared>>
      tpu.wait_indirect_dma semaphore(%arg15 : memref<!tpu.dma_semaphore, #tpu.memory_space<semaphore_mem>>) src(%dma_wait3A_373 : memref<10000xi32, #tpu.memory_space<vmem_shared>>) dst(%dma_wait3A_370 : memref<48xi32, #tpu.memory_space<vmem>>)
      %dma_wait3A_374 = arith.constant 336 : i32
      %dma_wait3A_375 = arith.constant 1 : i32
      %dma_wait3A_376 = arith.constant 144 : i32
      %dma_wait3A_377 = arith.constant 0 : i32
      %dma_wait3A_378 = tpu.memref_slice %arg8[%dma_wait3A_375, %dma_wait3A_376, %dma_wait3A_377] : memref<2x192x128xf32, #tpu.memory_space<vmem>> -> memref<1x48x128xf32, #tpu.memory_space<vmem>>
      %dma_wait3A_379 = tpu.memref_squeeze %dma_wait3A_378 : memref<1x48x128xf32, #tpu.memory_space<vmem>> -> memref<48x128xf32, #tpu.memory_space<vmem>>
      %dma_wait3A_380 = tpu.memref_slice %arg7[%dma_wait3A_374] : memref<384xi32, #tpu.memory_space<vmem>> -> memref<48xi32, #tpu.memory_space<vmem>>
      %dma_wait3A_381 = arith.constant 0 : i32
      %dma_wait3A_382 = arith.constant 0 : i32
      %dma_wait3A_383 = tpu.memref_slice %arg10[%dma_wait3A_381, %dma_wait3A_382] : memref<10000x128xf32, #tpu.memory_space<vmem_shared>> -> memref<10000x128xf32, #tpu.memory_space<vmem_shared>>
      tpu.wait_indirect_dma semaphore(%arg15 : memref<!tpu.dma_semaphore, #tpu.memory_space<semaphore_mem>>) src(%dma_wait3A_383 : memref<10000x128xf32, #tpu.memory_space<vmem_shared>>) dst(%dma_wait3A_379 : memref<48x128xf32, #tpu.memory_space<vmem>>)
      %dma_wait3A_384 = arith.constant 336 : i32
      %dma_wait3A_385 = arith.constant 336 : i32
      %dma_wait3A_386 = tpu.memref_slice %arg9[%dma_wait3A_385] : memref<384xi32, #tpu.memory_space<vmem>> -> memref<48xi32, #tpu.memory_space<vmem>>
      %dma_wait3A_387 = tpu.memref_slice %arg7[%dma_wait3A_384] : memref<384xi32, #tpu.memory_space<vmem>> -> memref<48xi32, #tpu.memory_space<vmem>>
      %dma_wait3A_388 = arith.constant 0 : i32
      %dma_wait3A_389 = tpu.memref_slice %arg11[%dma_wait3A_388] : memref<10000xi32, #tpu.memory_space<vmem_shared>> -> memref<10000xi32, #tpu.memory_space<vmem_shared>>
      tpu.wait_indirect_dma semaphore(%arg15 : memref<!tpu.dma_semaphore, #tpu.memory_space<semaphore_mem>>) src(%dma_wait3A_389 : memref<10000xi32, #tpu.memory_space<vmem_shared>>) dst(%dma_wait3A_386 : memref<48xi32, #tpu.memory_space<vmem>>)
      %lt3A_390 = arith.constant 39 : i32
      %lt3A_391 = arith.cmpi slt, %while3A_74, %lt3A_390 : i32
      %convert_element_type3A_392 = arith.extui %lt3A_391 : i1 to i32
      %cond3A_393 = arith.constant 192 : i32
      %cond3A_394 = arith.constant 0 : i32
      %cond3A_395 = arith.cmpi ne, %convert_element_type3A_392, %cond3A_394 : i32
      scf.if %cond3A_395 {
        %add3A_414 = arith.constant 384 : i32
        %add3A_415 = arith.addi %add3A_250, %add3A_414 : i32
        %dma_start3A_416 = tpu.memref_slice %arg7[%cond3A_393] : memref<384xi32, #tpu.memory_space<vmem>> -> memref<192xi32, #tpu.memory_space<vmem>>
        %dma_start3A_417 = tpu.memref_slice %arg3[%add3A_415] : memref<490000xi32, #tpu.memory_space<hbm>> -> memref<192xi32, #tpu.memory_space<hbm>>
        %dma_start3A_418 = tpu.memref_slice %arg7[%cond3A_393] : memref<384xi32, #tpu.memory_space<vmem>> -> memref<192xi32, #tpu.memory_space<vmem>>
        %dma_start3A_419 = tpu.memref_slice %arg3[%add3A_415] : memref<490000xi32, #tpu.memory_space<hbm>> -> memref<192xi32, #tpu.memory_space<hbm>>
        tpu.enqueue_dma source(%dma_start3A_419 : memref<192xi32, #tpu.memory_space<hbm>>) target(%dma_start3A_418 : memref<192xi32, #tpu.memory_space<vmem>>) target_semaphore(%arg13 : memref<!tpu.dma_semaphore, #tpu.memory_space<semaphore_mem>>)
      } else {
      }
      %dma_start3A_396 = arith.constant 1 : i32
      %dma_start3A_397 = arith.constant 0 : i32
      %dma_start3A_398 = arith.constant 0 : i32
      %dma_start3A_399 = tpu.memref_slice %arg8[%dma_start3A_396, %dma_start3A_397, %dma_start3A_398] : memref<2x192x128xf32, #tpu.memory_space<vmem>> -> memref<1x192x128xf32, #tpu.memory_space<vmem>>
      %dma_start3A_400 = tpu.memref_squeeze %dma_start3A_399 : memref<1x192x128xf32, #tpu.memory_space<vmem>> -> memref<192x128xf32, #tpu.memory_space<vmem>>
      %dma_start3A_401 = arith.constant 0 : i32
      %dma_start3A_402 = tpu.memref_slice %arg5[%add3A_250, %dma_start3A_401] : memref<490000x128xf32, #tpu.memory_space<hbm>> -> memref<192x128xf32, #tpu.memory_space<hbm>>
      %dma_start3A_403 = arith.constant 0 : i32
      %dma_start3A_404 = tpu.memref_slice %arg5[%add3A_250, %dma_start3A_403] : memref<490000x128xf32, #tpu.memory_space<hbm>> -> memref<192x128xf32, #tpu.memory_space<hbm>>
      %dma_start3A_405 = arith.constant 0 : i32
      %dma_start3A_406 = arith.constant 0 : i32
      %dma_start3A_407 = tpu.memref_slice %arg8[%dma_start3A_396, %dma_start3A_405, %dma_start3A_406] : memref<2x192x128xf32, #tpu.memory_space<vmem>> -> memref<1x192x128xf32, #tpu.memory_space<vmem>>
      %dma_start3A_408 = tpu.memref_squeeze %dma_start3A_407 : memref<1x192x128xf32, #tpu.memory_space<vmem>> -> memref<192x128xf32, #tpu.memory_space<vmem>>
      tpu.enqueue_dma source(%dma_start3A_408 : memref<192x128xf32, #tpu.memory_space<vmem>>) target(%dma_start3A_404 : memref<192x128xf32, #tpu.memory_space<hbm>>) target_semaphore(%arg17 : memref<!tpu.dma_semaphore, #tpu.memory_space<semaphore_mem>>)
      %dma_start3A_409 = arith.constant 192 : i32
      %dma_start3A_410 = tpu.memref_slice %arg9[%dma_start3A_409] : memref<384xi32, #tpu.memory_space<vmem>> -> memref<192xi32, #tpu.memory_space<vmem>>
      %dma_start3A_411 = tpu.memref_slice %arg6[%add3A_250] : memref<490000xi32, #tpu.memory_space<hbm>> -> memref<192xi32, #tpu.memory_space<hbm>>
      %dma_start3A_412 = tpu.memref_slice %arg6[%add3A_250] : memref<490000xi32, #tpu.memory_space<hbm>> -> memref<192xi32, #tpu.memory_space<hbm>>
      %dma_start3A_413 = tpu.memref_slice %arg9[%dma_start3A_409] : memref<384xi32, #tpu.memory_space<vmem>> -> memref<192xi32, #tpu.memory_space<vmem>>
      tpu.enqueue_dma source(%dma_start3A_413 : memref<192xi32, #tpu.memory_space<vmem>>) target(%dma_start3A_412 : memref<192xi32, #tpu.memory_space<hbm>>) target_semaphore(%arg17 : memref<!tpu.dma_semaphore, #tpu.memory_space<semaphore_mem>>)
    }
    %while3A_34 = arith.constant 1 : i32
    scf.for %while3A_74 = %while3A_32 to %while3A_28 step %while3A_34  : i32 {
      %mul3A_75 = arith.constant 2 : i32
      %mul3A_76 = arith.muli %while3A_74, %mul3A_75 : i32
      %add3A_77 = arith.constant 0 : i32
      %add3A_78 = arith.addi %mul3A_76, %add3A_77 : i32
      %mul3A_79 = arith.constant 192 : i32
      %mul3A_80 = arith.muli %add3A_78, %mul3A_79 : i32
      %add3A_81 = arith.addi %min3A_3, %mul3A_80 : i32
      %gt3A = arith.constant 0 : i32
      %gt3A_82 = arith.cmpi sgt, %while3A_74, %gt3A : i32
      %convert_element_type3A_83 = arith.extui %gt3A_82 : i1 to i32
      %cond3A_84 = arith.constant 0 : i32
      %cond3A_85 = arith.cmpi ne, %convert_element_type3A_83, %cond3A_84 : i32
      scf.if %cond3A_85 {
        %dma_wait3A_414 = arith.constant 0 : i32
        %dma_wait3A_415 = arith.constant 0 : i32
        %dma_wait3A_416 = arith.constant 0 : i32
        %dma_wait3A_417 = arith.constant 0 : i32
        %dma_wait3A_418 = tpu.memref_slice %arg8[%dma_wait3A_414, %dma_wait3A_416, %dma_wait3A_417] : memref<2x192x128xf32, #tpu.memory_space<vmem>> -> memref<1x192x128xf32, #tpu.memory_space<vmem>>
        %dma_wait3A_419 = tpu.memref_squeeze %dma_wait3A_418 : memref<1x192x128xf32, #tpu.memory_space<vmem>> -> memref<192x128xf32, #tpu.memory_space<vmem>>
        %dma_wait3A_420 = arith.constant 0 : i32
        %dma_wait3A_421 = tpu.memref_slice %arg5[%dma_wait3A_415, %dma_wait3A_420] : memref<490000x128xf32, #tpu.memory_space<hbm>> -> memref<192x128xf32, #tpu.memory_space<hbm>>
        %dma_wait3A_422 = arith.constant 0 : i32
        %dma_wait3A_423 = tpu.memref_slice %arg5[%dma_wait3A_415, %dma_wait3A_422] : memref<490000x128xf32, #tpu.memory_space<hbm>> -> memref<192x128xf32, #tpu.memory_space<hbm>>
        %dma_wait3A_424 = arith.constant 0 : i32
        %dma_wait3A_425 = arith.constant 0 : i32
        %dma_wait3A_426 = tpu.memref_slice %arg8[%dma_wait3A_414, %dma_wait3A_424, %dma_wait3A_425] : memref<2x192x128xf32, #tpu.memory_space<vmem>> -> memref<1x192x128xf32, #tpu.memory_space<vmem>>
        %dma_wait3A_427 = tpu.memref_squeeze %dma_wait3A_426 : memref<1x192x128xf32, #tpu.memory_space<vmem>> -> memref<192x128xf32, #tpu.memory_space<vmem>>
        tpu.wait_dma2 semaphore(%arg16 : memref<!tpu.dma_semaphore, #tpu.memory_space<semaphore_mem>>) src(%dma_wait3A_427 : memref<192x128xf32, #tpu.memory_space<vmem>>) dst(%dma_wait3A_423 : memref<192x128xf32, #tpu.memory_space<hbm>>)
        %dma_wait3A_428 = arith.constant 0 : i32
        %dma_wait3A_429 = arith.constant 0 : i32
        %dma_wait3A_430 = tpu.memref_slice %arg9[%dma_wait3A_428] : memref<384xi32, #tpu.memory_space<vmem>> -> memref<192xi32, #tpu.memory_space<vmem>>
        %dma_wait3A_431 = tpu.memref_slice %arg6[%dma_wait3A_429] : memref<490000xi32, #tpu.memory_space<hbm>> -> memref<192xi32, #tpu.memory_space<hbm>>
        %dma_wait3A_432 = tpu.memref_slice %arg6[%dma_wait3A_429] : memref<490000xi32, #tpu.memory_space<hbm>> -> memref<192xi32, #tpu.memory_space<hbm>>
        %dma_wait3A_433 = tpu.memref_slice %arg9[%dma_wait3A_428] : memref<384xi32, #tpu.memory_space<vmem>> -> memref<192xi32, #tpu.memory_space<vmem>>
        tpu.wait_dma2 semaphore(%arg16 : memref<!tpu.dma_semaphore, #tpu.memory_space<semaphore_mem>>) src(%dma_wait3A_433 : memref<192xi32, #tpu.memory_space<vmem>>) dst(%dma_wait3A_432 : memref<192xi32, #tpu.memory_space<hbm>>)
      } else {
      }
      %dma_wait3A_86 = arith.constant 0 : i32
      %dma_wait3A_87 = arith.constant 0 : i32
      %dma_wait3A_88 = tpu.memref_slice %arg7[%dma_wait3A_87] : memref<384xi32, #tpu.memory_space<vmem>> -> memref<192xi32, #tpu.memory_space<vmem>>
      %dma_wait3A_89 = tpu.memref_slice %arg3[%dma_wait3A_86] : memref<490000xi32, #tpu.memory_space<hbm>> -> memref<192xi32, #tpu.memory_space<hbm>>
      %dma_wait3A_90 = tpu.memref_slice %arg7[%dma_wait3A_87] : memref<384xi32, #tpu.memory_space<vmem>> -> memref<192xi32, #tpu.memory_space<vmem>>
      %dma_wait3A_91 = tpu.memref_slice %arg3[%dma_wait3A_86] : memref<490000xi32, #tpu.memory_space<hbm>> -> memref<192xi32, #tpu.memory_space<hbm>>
      tpu.wait_dma2 semaphore(%arg12 : memref<!tpu.dma_semaphore, #tpu.memory_space<semaphore_mem>>) src(%dma_wait3A_91 : memref<192xi32, #tpu.memory_space<hbm>>) dst(%dma_wait3A_90 : memref<192xi32, #tpu.memory_space<vmem>>)
      %dma_start3A_92 = arith.constant 0 : i32
      %dma_start3A_93 = arith.constant 0 : i32
      %dma_start3A_94 = arith.constant 0 : i32
      %dma_start3A_95 = arith.constant 0 : i32
      %dma_start3A_96 = tpu.memref_slice %arg8[%dma_start3A_93, %dma_start3A_94, %dma_start3A_95] : memref<2x192x128xf32, #tpu.memory_space<vmem>> -> memref<1x48x128xf32, #tpu.memory_space<vmem>>
      %dma_start3A_97 = tpu.memref_squeeze %dma_start3A_96 : memref<1x48x128xf32, #tpu.memory_space<vmem>> -> memref<48x128xf32, #tpu.memory_space<vmem>>
      %dma_start3A_98 = tpu.memref_slice %arg7[%dma_start3A_92] : memref<384xi32, #tpu.memory_space<vmem>> -> memref<48xi32, #tpu.memory_space<vmem>>
      %dma_start3A_99 = arith.constant 0 : i32
      %dma_start3A_100 = arith.constant 0 : i32
      %dma_start3A_101 = tpu.memref_slice %arg10[%dma_start3A_99, %dma_start3A_100] : memref<10000x128xf32, #tpu.memory_space<vmem_shared>> -> memref<10000x128xf32, #tpu.memory_space<vmem_shared>>
      tpu.enqueue_indirect_dma source(%dma_start3A_101 : memref<10000x128xf32, #tpu.memory_space<vmem_shared>>) target(%dma_start3A_97 : memref<48x128xf32, #tpu.memory_space<vmem>>) offsets(%dma_start3A_98 : memref<48xi32, #tpu.memory_space<vmem>>) semaphore(%arg14 : memref<!tpu.dma_semaphore, #tpu.memory_space<semaphore_mem>>)
      %dma_start3A_102 = arith.constant 0 : i32
      %dma_start3A_103 = arith.constant 0 : i32
      %dma_start3A_104 = tpu.memref_slice %arg9[%dma_start3A_103] : memref<384xi32, #tpu.memory_space<vmem>> -> memref<48xi32, #tpu.memory_space<vmem>>
      %dma_start3A_105 = tpu.memref_slice %arg7[%dma_start3A_102] : memref<384xi32, #tpu.memory_space<vmem>> -> memref<48xi32, #tpu.memory_space<vmem>>
      %dma_start3A_106 = arith.constant 0 : i32
      %dma_start3A_107 = tpu.memref_slice %arg11[%dma_start3A_106] : memref<10000xi32, #tpu.memory_space<vmem_shared>> -> memref<10000xi32, #tpu.memory_space<vmem_shared>>
      tpu.enqueue_indirect_dma source(%dma_start3A_107 : memref<10000xi32, #tpu.memory_space<vmem_shared>>) target(%dma_start3A_104 : memref<48xi32, #tpu.memory_space<vmem>>) offsets(%dma_start3A_105 : memref<48xi32, #tpu.memory_space<vmem>>) semaphore(%arg14 : memref<!tpu.dma_semaphore, #tpu.memory_space<semaphore_mem>>)
      %dma_start3A_108 = arith.constant 48 : i32
      %dma_start3A_109 = arith.constant 0 : i32
      %dma_start3A_110 = arith.constant 48 : i32
      %dma_start3A_111 = arith.constant 0 : i32
      %dma_start3A_112 = tpu.memref_slice %arg8[%dma_start3A_109, %dma_start3A_110, %dma_start3A_111] : memref<2x192x128xf32, #tpu.memory_space<vmem>> -> memref<1x48x128xf32, #tpu.memory_space<vmem>>
      %dma_start3A_113 = tpu.memref_squeeze %dma_start3A_112 : memref<1x48x128xf32, #tpu.memory_space<vmem>> -> memref<48x128xf32, #tpu.memory_space<vmem>>
      %dma_start3A_114 = tpu.memref_slice %arg7[%dma_start3A_108] : memref<384xi32, #tpu.memory_space<vmem>> -> memref<48xi32, #tpu.memory_space<vmem>>
      %dma_start3A_115 = arith.constant 0 : i32
      %dma_start3A_116 = arith.constant 0 : i32
      %dma_start3A_117 = tpu.memref_slice %arg10[%dma_start3A_115, %dma_start3A_116] : memref<10000x128xf32, #tpu.memory_space<vmem_shared>> -> memref<10000x128xf32, #tpu.memory_space<vmem_shared>>
      tpu.enqueue_indirect_dma source(%dma_start3A_117 : memref<10000x128xf32, #tpu.memory_space<vmem_shared>>) target(%dma_start3A_113 : memref<48x128xf32, #tpu.memory_space<vmem>>) offsets(%dma_start3A_114 : memref<48xi32, #tpu.memory_space<vmem>>) semaphore(%arg14 : memref<!tpu.dma_semaphore, #tpu.memory_space<semaphore_mem>>)
      %dma_start3A_118 = arith.constant 48 : i32
      %dma_start3A_119 = arith.constant 48 : i32
      %dma_start3A_120 = tpu.memref_slice %arg9[%dma_start3A_119] : memref<384xi32, #tpu.memory_space<vmem>> -> memref<48xi32, #tpu.memory_space<vmem>>
      %dma_start3A_121 = tpu.memref_slice %arg7[%dma_start3A_118] : memref<384xi32, #tpu.memory_space<vmem>> -> memref<48xi32, #tpu.memory_space<vmem>>
      %dma_start3A_122 = arith.constant 0 : i32
      %dma_start3A_123 = tpu.memref_slice %arg11[%dma_start3A_122] : memref<10000xi32, #tpu.memory_space<vmem_shared>> -> memref<10000xi32, #tpu.memory_space<vmem_shared>>
      tpu.enqueue_indirect_dma source(%dma_start3A_123 : memref<10000xi32, #tpu.memory_space<vmem_shared>>) target(%dma_start3A_120 : memref<48xi32, #tpu.memory_space<vmem>>) offsets(%dma_start3A_121 : memref<48xi32, #tpu.memory_space<vmem>>) semaphore(%arg14 : memref<!tpu.dma_semaphore, #tpu.memory_space<semaphore_mem>>)
      %dma_start3A_124 = arith.constant 96 : i32
      %dma_start3A_125 = arith.constant 0 : i32
      %dma_start3A_126 = arith.constant 96 : i32
      %dma_start3A_127 = arith.constant 0 : i32
      %dma_start3A_128 = tpu.memref_slice %arg8[%dma_start3A_125, %dma_start3A_126, %dma_start3A_127] : memref<2x192x128xf32, #tpu.memory_space<vmem>> -> memref<1x48x128xf32, #tpu.memory_space<vmem>>
      %dma_start3A_129 = tpu.memref_squeeze %dma_start3A_128 : memref<1x48x128xf32, #tpu.memory_space<vmem>> -> memref<48x128xf32, #tpu.memory_space<vmem>>
      %dma_start3A_130 = tpu.memref_slice %arg7[%dma_start3A_124] : memref<384xi32, #tpu.memory_space<vmem>> -> memref<48xi32, #tpu.memory_space<vmem>>
      %dma_start3A_131 = arith.constant 0 : i32
      %dma_start3A_132 = arith.constant 0 : i32
      %dma_start3A_133 = tpu.memref_slice %arg10[%dma_start3A_131, %dma_start3A_132] : memref<10000x128xf32, #tpu.memory_space<vmem_shared>> -> memref<10000x128xf32, #tpu.memory_space<vmem_shared>>
      tpu.enqueue_indirect_dma source(%dma_start3A_133 : memref<10000x128xf32, #tpu.memory_space<vmem_shared>>) target(%dma_start3A_129 : memref<48x128xf32, #tpu.memory_space<vmem>>) offsets(%dma_start3A_130 : memref<48xi32, #tpu.memory_space<vmem>>) semaphore(%arg14 : memref<!tpu.dma_semaphore, #tpu.memory_space<semaphore_mem>>)
      %dma_start3A_134 = arith.constant 96 : i32
      %dma_start3A_135 = arith.constant 96 : i32
      %dma_start3A_136 = tpu.memref_slice %arg9[%dma_start3A_135] : memref<384xi32, #tpu.memory_space<vmem>> -> memref<48xi32, #tpu.memory_space<vmem>>
      %dma_start3A_137 = tpu.memref_slice %arg7[%dma_start3A_134] : memref<384xi32, #tpu.memory_space<vmem>> -> memref<48xi32, #tpu.memory_space<vmem>>
      %dma_start3A_138 = arith.constant 0 : i32
      %dma_start3A_139 = tpu.memref_slice %arg11[%dma_start3A_138] : memref<10000xi32, #tpu.memory_space<vmem_shared>> -> memref<10000xi32, #tpu.memory_space<vmem_shared>>
      tpu.enqueue_indirect_dma source(%dma_start3A_139 : memref<10000xi32, #tpu.memory_space<vmem_shared>>) target(%dma_start3A_136 : memref<48xi32, #tpu.memory_space<vmem>>) offsets(%dma_start3A_137 : memref<48xi32, #tpu.memory_space<vmem>>) semaphore(%arg14 : memref<!tpu.dma_semaphore, #tpu.memory_space<semaphore_mem>>)
      %dma_start3A_140 = arith.constant 144 : i32
      %dma_start3A_141 = arith.constant 0 : i32
      %dma_start3A_142 = arith.constant 144 : i32
      %dma_start3A_143 = arith.constant 0 : i32
      %dma_start3A_144 = tpu.memref_slice %arg8[%dma_start3A_141, %dma_start3A_142, %dma_start3A_143] : memref<2x192x128xf32, #tpu.memory_space<vmem>> -> memref<1x48x128xf32, #tpu.memory_space<vmem>>
      %dma_start3A_145 = tpu.memref_squeeze %dma_start3A_144 : memref<1x48x128xf32, #tpu.memory_space<vmem>> -> memref<48x128xf32, #tpu.memory_space<vmem>>
      %dma_start3A_146 = tpu.memref_slice %arg7[%dma_start3A_140] : memref<384xi32, #tpu.memory_space<vmem>> -> memref<48xi32, #tpu.memory_space<vmem>>
      %dma_start3A_147 = arith.constant 0 : i32
      %dma_start3A_148 = arith.constant 0 : i32
      %dma_start3A_149 = tpu.memref_slice %arg10[%dma_start3A_147, %dma_start3A_148] : memref<10000x128xf32, #tpu.memory_space<vmem_shared>> -> memref<10000x128xf32, #tpu.memory_space<vmem_shared>>
      tpu.enqueue_indirect_dma source(%dma_start3A_149 : memref<10000x128xf32, #tpu.memory_space<vmem_shared>>) target(%dma_start3A_145 : memref<48x128xf32, #tpu.memory_space<vmem>>) offsets(%dma_start3A_146 : memref<48xi32, #tpu.memory_space<vmem>>) semaphore(%arg14 : memref<!tpu.dma_semaphore, #tpu.memory_space<semaphore_mem>>)
      %dma_start3A_150 = arith.constant 144 : i32
      %dma_start3A_151 = arith.constant 144 : i32
      %dma_start3A_152 = tpu.memref_slice %arg9[%dma_start3A_151] : memref<384xi32, #tpu.memory_space<vmem>> -> memref<48xi32, #tpu.memory_space<vmem>>
      %dma_start3A_153 = tpu.memref_slice %arg7[%dma_start3A_150] : memref<384xi32, #tpu.memory_space<vmem>> -> memref<48xi32, #tpu.memory_space<vmem>>
      %dma_start3A_154 = arith.constant 0 : i32
      %dma_start3A_155 = tpu.memref_slice %arg11[%dma_start3A_154] : memref<10000xi32, #tpu.memory_space<vmem_shared>> -> memref<10000xi32, #tpu.memory_space<vmem_shared>>
      tpu.enqueue_indirect_dma source(%dma_start3A_155 : memref<10000xi32, #tpu.memory_space<vmem_shared>>) target(%dma_start3A_152 : memref<48xi32, #tpu.memory_space<vmem>>) offsets(%dma_start3A_153 : memref<48xi32, #tpu.memory_space<vmem>>) semaphore(%arg14 : memref<!tpu.dma_semaphore, #tpu.memory_space<semaphore_mem>>)
      %dma_wait3A_156 = arith.constant 0 : i32
      %dma_wait3A_157 = arith.constant 0 : i32
      %dma_wait3A_158 = arith.constant 0 : i32
      %dma_wait3A_159 = arith.constant 0 : i32
      %dma_wait3A_160 = tpu.memref_slice %arg8[%dma_wait3A_157, %dma_wait3A_158, %dma_wait3A_159] : memref<2x192x128xf32, #tpu.memory_space<vmem>> -> memref<1x48x128xf32, #tpu.memory_space<vmem>>
      %dma_wait3A_161 = tpu.memref_squeeze %dma_wait3A_160 : memref<1x48x128xf32, #tpu.memory_space<vmem>> -> memref<48x128xf32, #tpu.memory_space<vmem>>
      %dma_wait3A_162 = tpu.memref_slice %arg7[%dma_wait3A_156] : memref<384xi32, #tpu.memory_space<vmem>> -> memref<48xi32, #tpu.memory_space<vmem>>
      %dma_wait3A_163 = arith.constant 0 : i32
      %dma_wait3A_164 = arith.constant 0 : i32
      %dma_wait3A_165 = tpu.memref_slice %arg10[%dma_wait3A_163, %dma_wait3A_164] : memref<10000x128xf32, #tpu.memory_space<vmem_shared>> -> memref<10000x128xf32, #tpu.memory_space<vmem_shared>>
      tpu.wait_indirect_dma semaphore(%arg14 : memref<!tpu.dma_semaphore, #tpu.memory_space<semaphore_mem>>) src(%dma_wait3A_165 : memref<10000x128xf32, #tpu.memory_space<vmem_shared>>) dst(%dma_wait3A_161 : memref<48x128xf32, #tpu.memory_space<vmem>>)
      %dma_wait3A_166 = arith.constant 0 : i32
      %dma_wait3A_167 = arith.constant 0 : i32
      %dma_wait3A_168 = tpu.memref_slice %arg9[%dma_wait3A_167] : memref<384xi32, #tpu.memory_space<vmem>> -> memref<48xi32, #tpu.memory_space<vmem>>
      %dma_wait3A_169 = tpu.memref_slice %arg7[%dma_wait3A_166] : memref<384xi32, #tpu.memory_space<vmem>> -> memref<48xi32, #tpu.memory_space<vmem>>
      %dma_wait3A_170 = arith.constant 0 : i32
      %dma_wait3A_171 = tpu.memref_slice %arg11[%dma_wait3A_170] : memref<10000xi32, #tpu.memory_space<vmem_shared>> -> memref<10000xi32, #tpu.memory_space<vmem_shared>>
      tpu.wait_indirect_dma semaphore(%arg14 : memref<!tpu.dma_semaphore, #tpu.memory_space<semaphore_mem>>) src(%dma_wait3A_171 : memref<10000xi32, #tpu.memory_space<vmem_shared>>) dst(%dma_wait3A_168 : memref<48xi32, #tpu.memory_space<vmem>>)
      %dma_wait3A_172 = arith.constant 48 : i32
      %dma_wait3A_173 = arith.constant 0 : i32
      %dma_wait3A_174 = arith.constant 48 : i32
      %dma_wait3A_175 = arith.constant 0 : i32
      %dma_wait3A_176 = tpu.memref_slice %arg8[%dma_wait3A_173, %dma_wait3A_174, %dma_wait3A_175] : memref<2x192x128xf32, #tpu.memory_space<vmem>> -> memref<1x48x128xf32, #tpu.memory_space<vmem>>
      %dma_wait3A_177 = tpu.memref_squeeze %dma_wait3A_176 : memref<1x48x128xf32, #tpu.memory_space<vmem>> -> memref<48x128xf32, #tpu.memory_space<vmem>>
      %dma_wait3A_178 = tpu.memref_slice %arg7[%dma_wait3A_172] : memref<384xi32, #tpu.memory_space<vmem>> -> memref<48xi32, #tpu.memory_space<vmem>>
      %dma_wait3A_179 = arith.constant 0 : i32
      %dma_wait3A_180 = arith.constant 0 : i32
      %dma_wait3A_181 = tpu.memref_slice %arg10[%dma_wait3A_179, %dma_wait3A_180] : memref<10000x128xf32, #tpu.memory_space<vmem_shared>> -> memref<10000x128xf32, #tpu.memory_space<vmem_shared>>
      tpu.wait_indirect_dma semaphore(%arg14 : memref<!tpu.dma_semaphore, #tpu.memory_space<semaphore_mem>>) src(%dma_wait3A_181 : memref<10000x128xf32, #tpu.memory_space<vmem_shared>>) dst(%dma_wait3A_177 : memref<48x128xf32, #tpu.memory_space<vmem>>)
      %dma_wait3A_182 = arith.constant 48 : i32
      %dma_wait3A_183 = arith.constant 48 : i32
      %dma_wait3A_184 = tpu.memref_slice %arg9[%dma_wait3A_183] : memref<384xi32, #tpu.memory_space<vmem>> -> memref<48xi32, #tpu.memory_space<vmem>>
      %dma_wait3A_185 = tpu.memref_slice %arg7[%dma_wait3A_182] : memref<384xi32, #tpu.memory_space<vmem>> -> memref<48xi32, #tpu.memory_space<vmem>>
      %dma_wait3A_186 = arith.constant 0 : i32
      %dma_wait3A_187 = tpu.memref_slice %arg11[%dma_wait3A_186] : memref<10000xi32, #tpu.memory_space<vmem_shared>> -> memref<10000xi32, #tpu.memory_space<vmem_shared>>
      tpu.wait_indirect_dma semaphore(%arg14 : memref<!tpu.dma_semaphore, #tpu.memory_space<semaphore_mem>>) src(%dma_wait3A_187 : memref<10000xi32, #tpu.memory_space<vmem_shared>>) dst(%dma_wait3A_184 : memref<48xi32, #tpu.memory_space<vmem>>)
      %dma_wait3A_188 = arith.constant 96 : i32
      %dma_wait3A_189 = arith.constant 0 : i32
      %dma_wait3A_190 = arith.constant 96 : i32
      %dma_wait3A_191 = arith.constant 0 : i32
      %dma_wait3A_192 = tpu.memref_slice %arg8[%dma_wait3A_189, %dma_wait3A_190, %dma_wait3A_191] : memref<2x192x128xf32, #tpu.memory_space<vmem>> -> memref<1x48x128xf32, #tpu.memory_space<vmem>>
      %dma_wait3A_193 = tpu.memref_squeeze %dma_wait3A_192 : memref<1x48x128xf32, #tpu.memory_space<vmem>> -> memref<48x128xf32, #tpu.memory_space<vmem>>
      %dma_wait3A_194 = tpu.memref_slice %arg7[%dma_wait3A_188] : memref<384xi32, #tpu.memory_space<vmem>> -> memref<48xi32, #tpu.memory_space<vmem>>
      %dma_wait3A_195 = arith.constant 0 : i32
      %dma_wait3A_196 = arith.constant 0 : i32
      %dma_wait3A_197 = tpu.memref_slice %arg10[%dma_wait3A_195, %dma_wait3A_196] : memref<10000x128xf32, #tpu.memory_space<vmem_shared>> -> memref<10000x128xf32, #tpu.memory_space<vmem_shared>>
      tpu.wait_indirect_dma semaphore(%arg14 : memref<!tpu.dma_semaphore, #tpu.memory_space<semaphore_mem>>) src(%dma_wait3A_197 : memref<10000x128xf32, #tpu.memory_space<vmem_shared>>) dst(%dma_wait3A_193 : memref<48x128xf32, #tpu.memory_space<vmem>>)
      %dma_wait3A_198 = arith.constant 96 : i32
      %dma_wait3A_199 = arith.constant 96 : i32
      %dma_wait3A_200 = tpu.memref_slice %arg9[%dma_wait3A_199] : memref<384xi32, #tpu.memory_space<vmem>> -> memref<48xi32, #tpu.memory_space<vmem>>
      %dma_wait3A_201 = tpu.memref_slice %arg7[%dma_wait3A_198] : memref<384xi32, #tpu.memory_space<vmem>> -> memref<48xi32, #tpu.memory_space<vmem>>
      %dma_wait3A_202 = arith.constant 0 : i32
      %dma_wait3A_203 = tpu.memref_slice %arg11[%dma_wait3A_202] : memref<10000xi32, #tpu.memory_space<vmem_shared>> -> memref<10000xi32, #tpu.memory_space<vmem_shared>>
      tpu.wait_indirect_dma semaphore(%arg14 : memref<!tpu.dma_semaphore, #tpu.memory_space<semaphore_mem>>) src(%dma_wait3A_203 : memref<10000xi32, #tpu.memory_space<vmem_shared>>) dst(%dma_wait3A_200 : memref<48xi32, #tpu.memory_space<vmem>>)
      %dma_wait3A_204 = arith.constant 144 : i32
      %dma_wait3A_205 = arith.constant 0 : i32
      %dma_wait3A_206 = arith.constant 144 : i32
      %dma_wait3A_207 = arith.constant 0 : i32
      %dma_wait3A_208 = tpu.memref_slice %arg8[%dma_wait3A_205, %dma_wait3A_206, %dma_wait3A_207] : memref<2x192x128xf32, #tpu.memory_space<vmem>> -> memref<1x48x128xf32, #tpu.memory_space<vmem>>
      %dma_wait3A_209 = tpu.memref_squeeze %dma_wait3A_208 : memref<1x48x128xf32, #tpu.memory_space<vmem>> -> memref<48x128xf32, #tpu.memory_space<vmem>>
      %dma_wait3A_210 = tpu.memref_slice %arg7[%dma_wait3A_204] : memref<384xi32, #tpu.memory_space<vmem>> -> memref<48xi32, #tpu.memory_space<vmem>>
      %dma_wait3A_211 = arith.constant 0 : i32
      %dma_wait3A_212 = arith.constant 0 : i32
      %dma_wait3A_213 = tpu.memref_slice %arg10[%dma_wait3A_211, %dma_wait3A_212] : memref<10000x128xf32, #tpu.memory_space<vmem_shared>> -> memref<10000x128xf32, #tpu.memory_space<vmem_shared>>
      tpu.wait_indirect_dma semaphore(%arg14 : memref<!tpu.dma_semaphore, #tpu.memory_space<semaphore_mem>>) src(%dma_wait3A_213 : memref<10000x128xf32, #tpu.memory_space<vmem_shared>>) dst(%dma_wait3A_209 : memref<48x128xf32, #tpu.memory_space<vmem>>)
      %dma_wait3A_214 = arith.constant 144 : i32
      %dma_wait3A_215 = arith.constant 144 : i32
      %dma_wait3A_216 = tpu.memref_slice %arg9[%dma_wait3A_215] : memref<384xi32, #tpu.memory_space<vmem>> -> memref<48xi32, #tpu.memory_space<vmem>>
      %dma_wait3A_217 = tpu.memref_slice %arg7[%dma_wait3A_214] : memref<384xi32, #tpu.memory_space<vmem>> -> memref<48xi32, #tpu.memory_space<vmem>>
      %dma_wait3A_218 = arith.constant 0 : i32
      %dma_wait3A_219 = tpu.memref_slice %arg11[%dma_wait3A_218] : memref<10000xi32, #tpu.memory_space<vmem_shared>> -> memref<10000xi32, #tpu.memory_space<vmem_shared>>
      tpu.wait_indirect_dma semaphore(%arg14 : memref<!tpu.dma_semaphore, #tpu.memory_space<semaphore_mem>>) src(%dma_wait3A_219 : memref<10000xi32, #tpu.memory_space<vmem_shared>>) dst(%dma_wait3A_216 : memref<48xi32, #tpu.memory_space<vmem>>)
      %lt3A_220 = arith.constant 39 : i32
      %lt3A_221 = arith.cmpi slt, %while3A_74, %lt3A_220 : i32
      %convert_element_type3A_222 = arith.extui %lt3A_221 : i1 to i32
      %cond3A_223 = arith.constant 0 : i32
      %cond3A_224 = arith.constant 0 : i32
      %cond3A_225 = arith.cmpi ne, %convert_element_type3A_222, %cond3A_224 : i32
      scf.if %cond3A_225 {
        %add3A_414 = arith.constant 384 : i32
        %add3A_415 = arith.addi %add3A_81, %add3A_414 : i32
        %dma_start3A_416 = tpu.memref_slice %arg7[%cond3A_223] : memref<384xi32, #tpu.memory_space<vmem>> -> memref<192xi32, #tpu.memory_space<vmem>>
        %dma_start3A_417 = tpu.memref_slice %arg3[%add3A_415] : memref<490000xi32, #tpu.memory_space<hbm>> -> memref<192xi32, #tpu.memory_space<hbm>>
        %dma_start3A_418 = tpu.memref_slice %arg7[%cond3A_223] : memref<384xi32, #tpu.memory_space<vmem>> -> memref<192xi32, #tpu.memory_space<vmem>>
        %dma_start3A_419 = tpu.memref_slice %arg3[%add3A_415] : memref<490000xi32, #tpu.memory_space<hbm>> -> memref<192xi32, #tpu.memory_space<hbm>>
        tpu.enqueue_dma source(%dma_start3A_419 : memref<192xi32, #tpu.memory_space<hbm>>) target(%dma_start3A_418 : memref<192xi32, #tpu.memory_space<vmem>>) target_semaphore(%arg12 : memref<!tpu.dma_semaphore, #tpu.memory_space<semaphore_mem>>)
      } else {
      }
      %dma_start3A_226 = arith.constant 0 : i32
      %dma_start3A_227 = arith.constant 0 : i32
      %dma_start3A_228 = arith.constant 0 : i32
      %dma_start3A_229 = tpu.memref_slice %arg8[%dma_start3A_226, %dma_start3A_227, %dma_start3A_228] : memref<2x192x128xf32, #tpu.memory_space<vmem>> -> memref<1x192x128xf32, #tpu.memory_space<vmem>>
      %dma_start3A_230 = tpu.memref_squeeze %dma_start3A_229 : memref<1x192x128xf32, #tpu.memory_space<vmem>> -> memref<192x128xf32, #tpu.memory_space<vmem>>
      %dma_start3A_231 = arith.constant 0 : i32
      %dma_start3A_232 = tpu.memref_slice %arg5[%add3A_81, %dma_start3A_231] : memref<490000x128xf32, #tpu.memory_space<hbm>> -> memref<192x128xf32, #tpu.memory_space<hbm>>
      %dma_start3A_233 = arith.constant 0 : i32
      %dma_start3A_234 = tpu.memref_slice %arg5[%add3A_81, %dma_start3A_233] : memref<490000x128xf32, #tpu.memory_space<hbm>> -> memref<192x128xf32, #tpu.memory_space<hbm>>
      %dma_start3A_235 = arith.constant 0 : i32
      %dma_start3A_236 = arith.constant 0 : i32
      %dma_start3A_237 = tpu.memref_slice %arg8[%dma_start3A_226, %dma_start3A_235, %dma_start3A_236] : memref<2x192x128xf32, #tpu.memory_space<vmem>> -> memref<1x192x128xf32, #tpu.memory_space<vmem>>
      %dma_start3A_238 = tpu.memref_squeeze %dma_start3A_237 : memref<1x192x128xf32, #tpu.memory_space<vmem>> -> memref<192x128xf32, #tpu.memory_space<vmem>>
      tpu.enqueue_dma source(%dma_start3A_238 : memref<192x128xf32, #tpu.memory_space<vmem>>) target(%dma_start3A_234 : memref<192x128xf32, #tpu.memory_space<hbm>>) target_semaphore(%arg16 : memref<!tpu.dma_semaphore, #tpu.memory_space<semaphore_mem>>)
      %dma_start3A_239 = arith.constant 0 : i32
      %dma_start3A_240 = tpu.memref_slice %arg9[%dma_start3A_239] : memref<384xi32, #tpu.memory_space<vmem>> -> memref<192xi32, #tpu.memory_space<vmem>>
      %dma_start3A_241 = tpu.memref_slice %arg6[%add3A_81] : memref<490000xi32, #tpu.memory_space<hbm>> -> memref<192xi32, #tpu.memory_space<hbm>>
      %dma_start3A_242 = tpu.memref_slice %arg6[%add3A_81] : memref<490000xi32, #tpu.memory_space<hbm>> -> memref<192xi32, #tpu.memory_space<hbm>>
      %dma_start3A_243 = tpu.memref_slice %arg9[%dma_start3A_239] : memref<384xi32, #tpu.memory_space<vmem>> -> memref<192xi32, #tpu.memory_space<vmem>>
      tpu.enqueue_dma source(%dma_start3A_243 : memref<192xi32, #tpu.memory_space<vmem>>) target(%dma_start3A_242 : memref<192xi32, #tpu.memory_space<hbm>>) target_semaphore(%arg16 : memref<!tpu.dma_semaphore, #tpu.memory_space<semaphore_mem>>)
      %mul3A_244 = arith.constant 2 : i32
      %mul3A_245 = arith.muli %while3A_74, %mul3A_244 : i32
      %add3A_246 = arith.constant 1 : i32
      %add3A_247 = arith.addi %mul3A_245, %add3A_246 : i32
      %mul3A_248 = arith.constant 192 : i32
      %mul3A_249 = arith.muli %add3A_247, %mul3A_248 : i32
      %add3A_250 = arith.addi %min3A_3, %mul3A_249 : i32
      %gt3A_251 = arith.constant 0 : i32
      %gt3A_252 = arith.cmpi sgt, %while3A_74, %gt3A_251 : i32
      %convert_element_type3A_253 = arith.extui %gt3A_252 : i1 to i32
      %cond3A_254 = arith.constant 0 : i32
      %cond3A_255 = arith.cmpi ne, %convert_element_type3A_253, %cond3A_254 : i32
      scf.if %cond3A_255 {
        %dma_wait3A_414 = arith.constant 1 : i32
        %dma_wait3A_415 = arith.constant 0 : i32
        %dma_wait3A_416 = arith.constant 0 : i32
        %dma_wait3A_417 = arith.constant 0 : i32
        %dma_wait3A_418 = tpu.memref_slice %arg8[%dma_wait3A_414, %dma_wait3A_416, %dma_wait3A_417] : memref<2x192x128xf32, #tpu.memory_space<vmem>> -> memref<1x192x128xf32, #tpu.memory_space<vmem>>
        %dma_wait3A_419 = tpu.memref_squeeze %dma_wait3A_418 : memref<1x192x128xf32, #tpu.memory_space<vmem>> -> memref<192x128xf32, #tpu.memory_space<vmem>>
        %dma_wait3A_420 = arith.constant 0 : i32
        %dma_wait3A_421 = tpu.memref_slice %arg5[%dma_wait3A_415, %dma_wait3A_420] : memref<490000x128xf32, #tpu.memory_space<hbm>> -> memref<192x128xf32, #tpu.memory_space<hbm>>
        %dma_wait3A_422 = arith.constant 0 : i32
        %dma_wait3A_423 = tpu.memref_slice %arg5[%dma_wait3A_415, %dma_wait3A_422] : memref<490000x128xf32, #tpu.memory_space<hbm>> -> memref<192x128xf32, #tpu.memory_space<hbm>>
        %dma_wait3A_424 = arith.constant 0 : i32
        %dma_wait3A_425 = arith.constant 0 : i32
        %dma_wait3A_426 = tpu.memref_slice %arg8[%dma_wait3A_414, %dma_wait3A_424, %dma_wait3A_425] : memref<2x192x128xf32, #tpu.memory_space<vmem>> -> memref<1x192x128xf32, #tpu.memory_space<vmem>>
        %dma_wait3A_427 = tpu.memref_squeeze %dma_wait3A_426 : memref<1x192x128xf32, #tpu.memory_space<vmem>> -> memref<192x128xf32, #tpu.memory_space<vmem>>
        tpu.wait_dma2 semaphore(%arg17 : memref<!tpu.dma_semaphore, #tpu.memory_space<semaphore_mem>>) src(%dma_wait3A_427 : memref<192x128xf32, #tpu.memory_space<vmem>>) dst(%dma_wait3A_423 : memref<192x128xf32, #tpu.memory_space<hbm>>)
        %dma_wait3A_428 = arith.constant 192 : i32
        %dma_wait3A_429 = arith.constant 0 : i32
        %dma_wait3A_430 = tpu.memref_slice %arg9[%dma_wait3A_428] : memref<384xi32, #tpu.memory_space<vmem>> -> memref<192xi32, #tpu.memory_space<vmem>>
        %dma_wait3A_431 = tpu.memref_slice %arg6[%dma_wait3A_429] : memref<490000xi32, #tpu.memory_space<hbm>> -> memref<192xi32, #tpu.memory_space<hbm>>
        %dma_wait3A_432 = tpu.memref_slice %arg6[%dma_wait3A_429] : memref<490000xi32, #tpu.memory_space<hbm>> -> memref<192xi32, #tpu.memory_space<hbm>>
        %dma_wait3A_433 = tpu.memref_slice %arg9[%dma_wait3A_428] : memref<384xi32, #tpu.memory_space<vmem>> -> memref<192xi32, #tpu.memory_space<vmem>>
        tpu.wait_dma2 semaphore(%arg17 : memref<!tpu.dma_semaphore, #tpu.memory_space<semaphore_mem>>) src(%dma_wait3A_433 : memref<192xi32, #tpu.memory_space<vmem>>) dst(%dma_wait3A_432 : memref<192xi32, #tpu.memory_space<hbm>>)
      } else {
      }
      %dma_wait3A_256 = arith.constant 0 : i32
      %dma_wait3A_257 = arith.constant 192 : i32
      %dma_wait3A_258 = tpu.memref_slice %arg7[%dma_wait3A_257] : memref<384xi32, #tpu.memory_space<vmem>> -> memref<192xi32, #tpu.memory_space<vmem>>
      %dma_wait3A_259 = tpu.memref_slice %arg3[%dma_wait3A_256] : memref<490000xi32, #tpu.memory_space<hbm>> -> memref<192xi32, #tpu.memory_space<hbm>>
      %dma_wait3A_260 = tpu.memref_slice %arg7[%dma_wait3A_257] : memref<384xi32, #tpu.memory_space<vmem>> -> memref<192xi32, #tpu.memory_space<vmem>>
      %dma_wait3A_261 = tpu.memref_slice %arg3[%dma_wait3A_256] : memref<490000xi32, #tpu.memory_space<hbm>> -> memref<192xi32, #tpu.memory_space<hbm>>
      tpu.wait_dma2 semaphore(%arg13 : memref<!tpu.dma_semaphore, #tpu.memory_space<semaphore_mem>>) src(%dma_wait3A_261 : memref<192xi32, #tpu.memory_space<hbm>>) dst(%dma_wait3A_260 : memref<192xi32, #tpu.memory_space<vmem>>)
      %dma_start3A_262 = arith.constant 192 : i32
      %dma_start3A_263 = arith.constant 1 : i32
      %dma_start3A_264 = arith.constant 0 : i32
      %dma_start3A_265 = arith.constant 0 : i32
      %dma_start3A_266 = tpu.memref_slice %arg8[%dma_start3A_263, %dma_start3A_264, %dma_start3A_265] : memref<2x192x128xf32, #tpu.memory_space<vmem>> -> memref<1x48x128xf32, #tpu.memory_space<vmem>>
      %dma_start3A_267 = tpu.memref_squeeze %dma_start3A_266 : memref<1x48x128xf32, #tpu.memory_space<vmem>> -> memref<48x128xf32, #tpu.memory_space<vmem>>
      %dma_start3A_268 = tpu.memref_slice %arg7[%dma_start3A_262] : memref<384xi32, #tpu.memory_space<vmem>> -> memref<48xi32, #tpu.memory_space<vmem>>
      %dma_start3A_269 = arith.constant 0 : i32
      %dma_start3A_270 = arith.constant 0 : i32
      %dma_start3A_271 = tpu.memref_slice %arg10[%dma_start3A_269, %dma_start3A_270] : memref<10000x128xf32, #tpu.memory_space<vmem_shared>> -> memref<10000x128xf32, #tpu.memory_space<vmem_shared>>
      tpu.enqueue_indirect_dma source(%dma_start3A_271 : memref<10000x128xf32, #tpu.memory_space<vmem_shared>>) target(%dma_start3A_267 : memref<48x128xf32, #tpu.memory_space<vmem>>) offsets(%dma_start3A_268 : memref<48xi32, #tpu.memory_space<vmem>>) semaphore(%arg15 : memref<!tpu.dma_semaphore, #tpu.memory_space<semaphore_mem>>)
      %dma_start3A_272 = arith.constant 192 : i32
      %dma_start3A_273 = arith.constant 192 : i32
      %dma_start3A_274 = tpu.memref_slice %arg9[%dma_start3A_273] : memref<384xi32, #tpu.memory_space<vmem>> -> memref<48xi32, #tpu.memory_space<vmem>>
      %dma_start3A_275 = tpu.memref_slice %arg7[%dma_start3A_272] : memref<384xi32, #tpu.memory_space<vmem>> -> memref<48xi32, #tpu.memory_space<vmem>>
      %dma_start3A_276 = arith.constant 0 : i32
      %dma_start3A_277 = tpu.memref_slice %arg11[%dma_start3A_276] : memref<10000xi32, #tpu.memory_space<vmem_shared>> -> memref<10000xi32, #tpu.memory_space<vmem_shared>>
      tpu.enqueue_indirect_dma source(%dma_start3A_277 : memref<10000xi32, #tpu.memory_space<vmem_shared>>) target(%dma_start3A_274 : memref<48xi32, #tpu.memory_space<vmem>>) offsets(%dma_start3A_275 : memref<48xi32, #tpu.memory_space<vmem>>) semaphore(%arg15 : memref<!tpu.dma_semaphore, #tpu.memory_space<semaphore_mem>>)
      %dma_start3A_278 = arith.constant 240 : i32
      %dma_start3A_279 = arith.constant 1 : i32
      %dma_start3A_280 = arith.constant 48 : i32
      %dma_start3A_281 = arith.constant 0 : i32
      %dma_start3A_282 = tpu.memref_slice %arg8[%dma_start3A_279, %dma_start3A_280, %dma_start3A_281] : memref<2x192x128xf32, #tpu.memory_space<vmem>> -> memref<1x48x128xf32, #tpu.memory_space<vmem>>
      %dma_start3A_283 = tpu.memref_squeeze %dma_start3A_282 : memref<1x48x128xf32, #tpu.memory_space<vmem>> -> memref<48x128xf32, #tpu.memory_space<vmem>>
      %dma_start3A_284 = tpu.memref_slice %arg7[%dma_start3A_278] : memref<384xi32, #tpu.memory_space<vmem>> -> memref<48xi32, #tpu.memory_space<vmem>>
      %dma_start3A_285 = arith.constant 0 : i32
      %dma_start3A_286 = arith.constant 0 : i32
      %dma_start3A_287 = tpu.memref_slice %arg10[%dma_start3A_285, %dma_start3A_286] : memref<10000x128xf32, #tpu.memory_space<vmem_shared>> -> memref<10000x128xf32, #tpu.memory_space<vmem_shared>>
      tpu.enqueue_indirect_dma source(%dma_start3A_287 : memref<10000x128xf32, #tpu.memory_space<vmem_shared>>) target(%dma_start3A_283 : memref<48x128xf32, #tpu.memory_space<vmem>>) offsets(%dma_start3A_284 : memref<48xi32, #tpu.memory_space<vmem>>) semaphore(%arg15 : memref<!tpu.dma_semaphore, #tpu.memory_space<semaphore_mem>>)
      %dma_start3A_288 = arith.constant 240 : i32
      %dma_start3A_289 = arith.constant 240 : i32
      %dma_start3A_290 = tpu.memref_slice %arg9[%dma_start3A_289] : memref<384xi32, #tpu.memory_space<vmem>> -> memref<48xi32, #tpu.memory_space<vmem>>
      %dma_start3A_291 = tpu.memref_slice %arg7[%dma_start3A_288] : memref<384xi32, #tpu.memory_space<vmem>> -> memref<48xi32, #tpu.memory_space<vmem>>
      %dma_start3A_292 = arith.constant 0 : i32
      %dma_start3A_293 = tpu.memref_slice %arg11[%dma_start3A_292] : memref<10000xi32, #tpu.memory_space<vmem_shared>> -> memref<10000xi32, #tpu.memory_space<vmem_shared>>
      tpu.enqueue_indirect_dma source(%dma_start3A_293 : memref<10000xi32, #tpu.memory_space<vmem_shared>>) target(%dma_start3A_290 : memref<48xi32, #tpu.memory_space<vmem>>) offsets(%dma_start3A_291 : memref<48xi32, #tpu.memory_space<vmem>>) semaphore(%arg15 : memref<!tpu.dma_semaphore, #tpu.memory_space<semaphore_mem>>)
      %dma_start3A_294 = arith.constant 288 : i32
      %dma_start3A_295 = arith.constant 1 : i32
      %dma_start3A_296 = arith.constant 96 : i32
      %dma_start3A_297 = arith.constant 0 : i32
      %dma_start3A_298 = tpu.memref_slice %arg8[%dma_start3A_295, %dma_start3A_296, %dma_start3A_297] : memref<2x192x128xf32, #tpu.memory_space<vmem>> -> memref<1x48x128xf32, #tpu.memory_space<vmem>>
      %dma_start3A_299 = tpu.memref_squeeze %dma_start3A_298 : memref<1x48x128xf32, #tpu.memory_space<vmem>> -> memref<48x128xf32, #tpu.memory_space<vmem>>
      %dma_start3A_300 = tpu.memref_slice %arg7[%dma_start3A_294] : memref<384xi32, #tpu.memory_space<vmem>> -> memref<48xi32, #tpu.memory_space<vmem>>
      %dma_start3A_301 = arith.constant 0 : i32
      %dma_start3A_302 = arith.constant 0 : i32
      %dma_start3A_303 = tpu.memref_slice %arg10[%dma_start3A_301, %dma_start3A_302] : memref<10000x128xf32, #tpu.memory_space<vmem_shared>> -> memref<10000x128xf32, #tpu.memory_space<vmem_shared>>
      tpu.enqueue_indirect_dma source(%dma_start3A_303 : memref<10000x128xf32, #tpu.memory_space<vmem_shared>>) target(%dma_start3A_299 : memref<48x128xf32, #tpu.memory_space<vmem>>) offsets(%dma_start3A_300 : memref<48xi32, #tpu.memory_space<vmem>>) semaphore(%arg15 : memref<!tpu.dma_semaphore, #tpu.memory_space<semaphore_mem>>)
      %dma_start3A_304 = arith.constant 288 : i32
      %dma_start3A_305 = arith.constant 288 : i32
      %dma_start3A_306 = tpu.memref_slice %arg9[%dma_start3A_305] : memref<384xi32, #tpu.memory_space<vmem>> -> memref<48xi32, #tpu.memory_space<vmem>>
      %dma_start3A_307 = tpu.memref_slice %arg7[%dma_start3A_304] : memref<384xi32, #tpu.memory_space<vmem>> -> memref<48xi32, #tpu.memory_space<vmem>>
      %dma_start3A_308 = arith.constant 0 : i32
      %dma_start3A_309 = tpu.memref_slice %arg11[%dma_start3A_308] : memref<10000xi32, #tpu.memory_space<vmem_shared>> -> memref<10000xi32, #tpu.memory_space<vmem_shared>>
      tpu.enqueue_indirect_dma source(%dma_start3A_309 : memref<10000xi32, #tpu.memory_space<vmem_shared>>) target(%dma_start3A_306 : memref<48xi32, #tpu.memory_space<vmem>>) offsets(%dma_start3A_307 : memref<48xi32, #tpu.memory_space<vmem>>) semaphore(%arg15 : memref<!tpu.dma_semaphore, #tpu.memory_space<semaphore_mem>>)
      %dma_start3A_310 = arith.constant 336 : i32
      %dma_start3A_311 = arith.constant 1 : i32
      %dma_start3A_312 = arith.constant 144 : i32
      %dma_start3A_313 = arith.constant 0 : i32
      %dma_start3A_314 = tpu.memref_slice %arg8[%dma_start3A_311, %dma_start3A_312, %dma_start3A_313] : memref<2x192x128xf32, #tpu.memory_space<vmem>> -> memref<1x48x128xf32, #tpu.memory_space<vmem>>
      %dma_start3A_315 = tpu.memref_squeeze %dma_start3A_314 : memref<1x48x128xf32, #tpu.memory_space<vmem>> -> memref<48x128xf32, #tpu.memory_space<vmem>>
      %dma_start3A_316 = tpu.memref_slice %arg7[%dma_start3A_310] : memref<384xi32, #tpu.memory_space<vmem>> -> memref<48xi32, #tpu.memory_space<vmem>>
      %dma_start3A_317 = arith.constant 0 : i32
      %dma_start3A_318 = arith.constant 0 : i32
      %dma_start3A_319 = tpu.memref_slice %arg10[%dma_start3A_317, %dma_start3A_318] : memref<10000x128xf32, #tpu.memory_space<vmem_shared>> -> memref<10000x128xf32, #tpu.memory_space<vmem_shared>>
      tpu.enqueue_indirect_dma source(%dma_start3A_319 : memref<10000x128xf32, #tpu.memory_space<vmem_shared>>) target(%dma_start3A_315 : memref<48x128xf32, #tpu.memory_space<vmem>>) offsets(%dma_start3A_316 : memref<48xi32, #tpu.memory_space<vmem>>) semaphore(%arg15 : memref<!tpu.dma_semaphore, #tpu.memory_space<semaphore_mem>>)
      %dma_start3A_320 = arith.constant 336 : i32
      %dma_start3A_321 = arith.constant 336 : i32
      %dma_start3A_322 = tpu.memref_slice %arg9[%dma_start3A_321] : memref<384xi32, #tpu.memory_space<vmem>> -> memref<48xi32, #tpu.memory_space<vmem>>
      %dma_start3A_323 = tpu.memref_slice %arg7[%dma_start3A_320] : memref<384xi32, #tpu.memory_space<vmem>> -> memref<48xi32, #tpu.memory_space<vmem>>
      %dma_start3A_324 = arith.constant 0 : i32
      %dma_start3A_325 = tpu.memref_slice %arg11[%dma_start3A_324] : memref<10000xi32, #tpu.memory_space<vmem_shared>> -> memref<10000xi32, #tpu.memory_space<vmem_shared>>
      tpu.enqueue_indirect_dma source(%dma_start3A_325 : memref<10000xi32, #tpu.memory_space<vmem_shared>>) target(%dma_start3A_322 : memref<48xi32, #tpu.memory_space<vmem>>) offsets(%dma_start3A_323 : memref<48xi32, #tpu.memory_space<vmem>>) semaphore(%arg15 : memref<!tpu.dma_semaphore, #tpu.memory_space<semaphore_mem>>)
      %dma_wait3A_326 = arith.constant 192 : i32
      %dma_wait3A_327 = arith.constant 1 : i32
      %dma_wait3A_328 = arith.constant 0 : i32
      %dma_wait3A_329 = arith.constant 0 : i32
      %dma_wait3A_330 = tpu.memref_slice %arg8[%dma_wait3A_327, %dma_wait3A_328, %dma_wait3A_329] : memref<2x192x128xf32, #tpu.memory_space<vmem>> -> memref<1x48x128xf32, #tpu.memory_space<vmem>>
      %dma_wait3A_331 = tpu.memref_squeeze %dma_wait3A_330 : memref<1x48x128xf32, #tpu.memory_space<vmem>> -> memref<48x128xf32, #tpu.memory_space<vmem>>
      %dma_wait3A_332 = tpu.memref_slice %arg7[%dma_wait3A_326] : memref<384xi32, #tpu.memory_space<vmem>> -> memref<48xi32, #tpu.memory_space<vmem>>
      %dma_wait3A_333 = arith.constant 0 : i32
      %dma_wait3A_334 = arith.constant 0 : i32
      %dma_wait3A_335 = tpu.memref_slice %arg10[%dma_wait3A_333, %dma_wait3A_334] : memref<10000x128xf32, #tpu.memory_space<vmem_shared>> -> memref<10000x128xf32, #tpu.memory_space<vmem_shared>>
      tpu.wait_indirect_dma semaphore(%arg15 : memref<!tpu.dma_semaphore, #tpu.memory_space<semaphore_mem>>) src(%dma_wait3A_335 : memref<10000x128xf32, #tpu.memory_space<vmem_shared>>) dst(%dma_wait3A_331 : memref<48x128xf32, #tpu.memory_space<vmem>>)
      %dma_wait3A_336 = arith.constant 192 : i32
      %dma_wait3A_337 = arith.constant 192 : i32
      %dma_wait3A_338 = tpu.memref_slice %arg9[%dma_wait3A_337] : memref<384xi32, #tpu.memory_space<vmem>> -> memref<48xi32, #tpu.memory_space<vmem>>
      %dma_wait3A_339 = tpu.memref_slice %arg7[%dma_wait3A_336] : memref<384xi32, #tpu.memory_space<vmem>> -> memref<48xi32, #tpu.memory_space<vmem>>
      %dma_wait3A_340 = arith.constant 0 : i32
      %dma_wait3A_341 = tpu.memref_slice %arg11[%dma_wait3A_340] : memref<10000xi32, #tpu.memory_space<vmem_shared>> -> memref<10000xi32, #tpu.memory_space<vmem_shared>>
      tpu.wait_indirect_dma semaphore(%arg15 : memref<!tpu.dma_semaphore, #tpu.memory_space<semaphore_mem>>) src(%dma_wait3A_341 : memref<10000xi32, #tpu.memory_space<vmem_shared>>) dst(%dma_wait3A_338 : memref<48xi32, #tpu.memory_space<vmem>>)
      %dma_wait3A_342 = arith.constant 240 : i32
      %dma_wait3A_343 = arith.constant 1 : i32
      %dma_wait3A_344 = arith.constant 48 : i32
      %dma_wait3A_345 = arith.constant 0 : i32
      %dma_wait3A_346 = tpu.memref_slice %arg8[%dma_wait3A_343, %dma_wait3A_344, %dma_wait3A_345] : memref<2x192x128xf32, #tpu.memory_space<vmem>> -> memref<1x48x128xf32, #tpu.memory_space<vmem>>
      %dma_wait3A_347 = tpu.memref_squeeze %dma_wait3A_346 : memref<1x48x128xf32, #tpu.memory_space<vmem>> -> memref<48x128xf32, #tpu.memory_space<vmem>>
      %dma_wait3A_348 = tpu.memref_slice %arg7[%dma_wait3A_342] : memref<384xi32, #tpu.memory_space<vmem>> -> memref<48xi32, #tpu.memory_space<vmem>>
      %dma_wait3A_349 = arith.constant 0 : i32
      %dma_wait3A_350 = arith.constant 0 : i32
      %dma_wait3A_351 = tpu.memref_slice %arg10[%dma_wait3A_349, %dma_wait3A_350] : memref<10000x128xf32, #tpu.memory_space<vmem_shared>> -> memref<10000x128xf32, #tpu.memory_space<vmem_shared>>
      tpu.wait_indirect_dma semaphore(%arg15 : memref<!tpu.dma_semaphore, #tpu.memory_space<semaphore_mem>>) src(%dma_wait3A_351 : memref<10000x128xf32, #tpu.memory_space<vmem_shared>>) dst(%dma_wait3A_347 : memref<48x128xf32, #tpu.memory_space<vmem>>)
      %dma_wait3A_352 = arith.constant 240 : i32
      %dma_wait3A_353 = arith.constant 240 : i32
      %dma_wait3A_354 = tpu.memref_slice %arg9[%dma_wait3A_353] : memref<384xi32, #tpu.memory_space<vmem>> -> memref<48xi32, #tpu.memory_space<vmem>>
      %dma_wait3A_355 = tpu.memref_slice %arg7[%dma_wait3A_352] : memref<384xi32, #tpu.memory_space<vmem>> -> memref<48xi32, #tpu.memory_space<vmem>>
      %dma_wait3A_356 = arith.constant 0 : i32
      %dma_wait3A_357 = tpu.memref_slice %arg11[%dma_wait3A_356] : memref<10000xi32, #tpu.memory_space<vmem_shared>> -> memref<10000xi32, #tpu.memory_space<vmem_shared>>
      tpu.wait_indirect_dma semaphore(%arg15 : memref<!tpu.dma_semaphore, #tpu.memory_space<semaphore_mem>>) src(%dma_wait3A_357 : memref<10000xi32, #tpu.memory_space<vmem_shared>>) dst(%dma_wait3A_354 : memref<48xi32, #tpu.memory_space<vmem>>)
      %dma_wait3A_358 = arith.constant 288 : i32
      %dma_wait3A_359 = arith.constant 1 : i32
      %dma_wait3A_360 = arith.constant 96 : i32
      %dma_wait3A_361 = arith.constant 0 : i32
      %dma_wait3A_362 = tpu.memref_slice %arg8[%dma_wait3A_359, %dma_wait3A_360, %dma_wait3A_361] : memref<2x192x128xf32, #tpu.memory_space<vmem>> -> memref<1x48x128xf32, #tpu.memory_space<vmem>>
      %dma_wait3A_363 = tpu.memref_squeeze %dma_wait3A_362 : memref<1x48x128xf32, #tpu.memory_space<vmem>> -> memref<48x128xf32, #tpu.memory_space<vmem>>
      %dma_wait3A_364 = tpu.memref_slice %arg7[%dma_wait3A_358] : memref<384xi32, #tpu.memory_space<vmem>> -> memref<48xi32, #tpu.memory_space<vmem>>
      %dma_wait3A_365 = arith.constant 0 : i32
      %dma_wait3A_366 = arith.constant 0 : i32
      %dma_wait3A_367 = tpu.memref_slice %arg10[%dma_wait3A_365, %dma_wait3A_366] : memref<10000x128xf32, #tpu.memory_space<vmem_shared>> -> memref<10000x128xf32, #tpu.memory_space<vmem_shared>>
      tpu.wait_indirect_dma semaphore(%arg15 : memref<!tpu.dma_semaphore, #tpu.memory_space<semaphore_mem>>) src(%dma_wait3A_367 : memref<10000x128xf32, #tpu.memory_space<vmem_shared>>) dst(%dma_wait3A_363 : memref<48x128xf32, #tpu.memory_space<vmem>>)
      %dma_wait3A_368 = arith.constant 288 : i32
      %dma_wait3A_369 = arith.constant 288 : i32
      %dma_wait3A_370 = tpu.memref_slice %arg9[%dma_wait3A_369] : memref<384xi32, #tpu.memory_space<vmem>> -> memref<48xi32, #tpu.memory_space<vmem>>
      %dma_wait3A_371 = tpu.memref_slice %arg7[%dma_wait3A_368] : memref<384xi32, #tpu.memory_space<vmem>> -> memref<48xi32, #tpu.memory_space<vmem>>
      %dma_wait3A_372 = arith.constant 0 : i32
      %dma_wait3A_373 = tpu.memref_slice %arg11[%dma_wait3A_372] : memref<10000xi32, #tpu.memory_space<vmem_shared>> -> memref<10000xi32, #tpu.memory_space<vmem_shared>>
      tpu.wait_indirect_dma semaphore(%arg15 : memref<!tpu.dma_semaphore, #tpu.memory_space<semaphore_mem>>) src(%dma_wait3A_373 : memref<10000xi32, #tpu.memory_space<vmem_shared>>) dst(%dma_wait3A_370 : memref<48xi32, #tpu.memory_space<vmem>>)
      %dma_wait3A_374 = arith.constant 336 : i32
      %dma_wait3A_375 = arith.constant 1 : i32
      %dma_wait3A_376 = arith.constant 144 : i32
      %dma_wait3A_377 = arith.constant 0 : i32
      %dma_wait3A_378 = tpu.memref_slice %arg8[%dma_wait3A_375, %dma_wait3A_376, %dma_wait3A_377] : memref<2x192x128xf32, #tpu.memory_space<vmem>> -> memref<1x48x128xf32, #tpu.memory_space<vmem>>
      %dma_wait3A_379 = tpu.memref_squeeze %dma_wait3A_378 : memref<1x48x128xf32, #tpu.memory_space<vmem>> -> memref<48x128xf32, #tpu.memory_space<vmem>>
      %dma_wait3A_380 = tpu.memref_slice %arg7[%dma_wait3A_374] : memref<384xi32, #tpu.memory_space<vmem>> -> memref<48xi32, #tpu.memory_space<vmem>>
      %dma_wait3A_381 = arith.constant 0 : i32
      %dma_wait3A_382 = arith.constant 0 : i32
      %dma_wait3A_383 = tpu.memref_slice %arg10[%dma_wait3A_381, %dma_wait3A_382] : memref<10000x128xf32, #tpu.memory_space<vmem_shared>> -> memref<10000x128xf32, #tpu.memory_space<vmem_shared>>
      tpu.wait_indirect_dma semaphore(%arg15 : memref<!tpu.dma_semaphore, #tpu.memory_space<semaphore_mem>>) src(%dma_wait3A_383 : memref<10000x128xf32, #tpu.memory_space<vmem_shared>>) dst(%dma_wait3A_379 : memref<48x128xf32, #tpu.memory_space<vmem>>)
      %dma_wait3A_384 = arith.constant 336 : i32
      %dma_wait3A_385 = arith.constant 336 : i32
      %dma_wait3A_386 = tpu.memref_slice %arg9[%dma_wait3A_385] : memref<384xi32, #tpu.memory_space<vmem>> -> memref<48xi32, #tpu.memory_space<vmem>>
      %dma_wait3A_387 = tpu.memref_slice %arg7[%dma_wait3A_384] : memref<384xi32, #tpu.memory_space<vmem>> -> memref<48xi32, #tpu.memory_space<vmem>>
      %dma_wait3A_388 = arith.constant 0 : i32
      %dma_wait3A_389 = tpu.memref_slice %arg11[%dma_wait3A_388] : memref<10000xi32, #tpu.memory_space<vmem_shared>> -> memref<10000xi32, #tpu.memory_space<vmem_shared>>
      tpu.wait_indirect_dma semaphore(%arg15 : memref<!tpu.dma_semaphore, #tpu.memory_space<semaphore_mem>>) src(%dma_wait3A_389 : memref<10000xi32, #tpu.memory_space<vmem_shared>>) dst(%dma_wait3A_386 : memref<48xi32, #tpu.memory_space<vmem>>)
      %lt3A_390 = arith.constant 39 : i32
      %lt3A_391 = arith.cmpi slt, %while3A_74, %lt3A_390 : i32
      %convert_element_type3A_392 = arith.extui %lt3A_391 : i1 to i32
      %cond3A_393 = arith.constant 192 : i32
      %cond3A_394 = arith.constant 0 : i32
      %cond3A_395 = arith.cmpi ne, %convert_element_type3A_392, %cond3A_394 : i32
      scf.if %cond3A_395 {
        %add3A_414 = arith.constant 384 : i32
        %add3A_415 = arith.addi %add3A_250, %add3A_414 : i32
        %dma_start3A_416 = tpu.memref_slice %arg7[%cond3A_393] : memref<384xi32, #tpu.memory_space<vmem>> -> memref<192xi32, #tpu.memory_space<vmem>>
        %dma_start3A_417 = tpu.memref_slice %arg3[%add3A_415] : memref<490000xi32, #tpu.memory_space<hbm>> -> memref<192xi32, #tpu.memory_space<hbm>>
        %dma_start3A_418 = tpu.memref_slice %arg7[%cond3A_393] : memref<384xi32, #tpu.memory_space<vmem>> -> memref<192xi32, #tpu.memory_space<vmem>>
        %dma_start3A_419 = tpu.memref_slice %arg3[%add3A_415] : memref<490000xi32, #tpu.memory_space<hbm>> -> memref<192xi32, #tpu.memory_space<hbm>>
        tpu.enqueue_dma source(%dma_start3A_419 : memref<192xi32, #tpu.memory_space<hbm>>) target(%dma_start3A_418 : memref<192xi32, #tpu.memory_space<vmem>>) target_semaphore(%arg13 : memref<!tpu.dma_semaphore, #tpu.memory_space<semaphore_mem>>)
      } else {
      }
      %dma_start3A_396 = arith.constant 1 : i32
      %dma_start3A_397 = arith.constant 0 : i32
      %dma_start3A_398 = arith.constant 0 : i32
      %dma_start3A_399 = tpu.memref_slice %arg8[%dma_start3A_396, %dma_start3A_397, %dma_start3A_398] : memref<2x192x128xf32, #tpu.memory_space<vmem>> -> memref<1x192x128xf32, #tpu.memory_space<vmem>>
      %dma_start3A_400 = tpu.memref_squeeze %dma_start3A_399 : memref<1x192x128xf32, #tpu.memory_space<vmem>> -> memref<192x128xf32, #tpu.memory_space<vmem>>
      %dma_start3A_401 = arith.constant 0 : i32
      %dma_start3A_402 = tpu.memref_slice %arg5[%add3A_250, %dma_start3A_401] : memref<490000x128xf32, #tpu.memory_space<hbm>> -> memref<192x128xf32, #tpu.memory_space<hbm>>
      %dma_start3A_403 = arith.constant 0 : i32
      %dma_start3A_404 = tpu.memref_slice %arg5[%add3A_250, %dma_start3A_403] : memref<490000x128xf32, #tpu.memory_space<hbm>> -> memref<192x128xf32, #tpu.memory_space<hbm>>
      %dma_start3A_405 = arith.constant 0 : i32
      %dma_start3A_406 = arith.constant 0 : i32
      %dma_start3A_407 = tpu.memref_slice %arg8[%dma_start3A_396, %dma_start3A_405, %dma_start3A_406] : memref<2x192x128xf32, #tpu.memory_space<vmem>> -> memref<1x192x128xf32, #tpu.memory_space<vmem>>
      %dma_start3A_408 = tpu.memref_squeeze %dma_start3A_407 : memref<1x192x128xf32, #tpu.memory_space<vmem>> -> memref<192x128xf32, #tpu.memory_space<vmem>>
      tpu.enqueue_dma source(%dma_start3A_408 : memref<192x128xf32, #tpu.memory_space<vmem>>) target(%dma_start3A_404 : memref<192x128xf32, #tpu.memory_space<hbm>>) target_semaphore(%arg17 : memref<!tpu.dma_semaphore, #tpu.memory_space<semaphore_mem>>)
      %dma_start3A_409 = arith.constant 192 : i32
      %dma_start3A_410 = tpu.memref_slice %arg9[%dma_start3A_409] : memref<384xi32, #tpu.memory_space<vmem>> -> memref<192xi32, #tpu.memory_space<vmem>>
      %dma_start3A_411 = tpu.memref_slice %arg6[%add3A_250] : memref<490000xi32, #tpu.memory_space<hbm>> -> memref<192xi32, #tpu.memory_space<hbm>>
      %dma_start3A_412 = tpu.memref_slice %arg6[%add3A_250] : memref<490000xi32, #tpu.memory_space<hbm>> -> memref<192xi32, #tpu.memory_space<hbm>>
      %dma_start3A_413 = tpu.memref_slice %arg9[%dma_start3A_409] : memref<384xi32, #tpu.memory_space<vmem>> -> memref<192xi32, #tpu.memory_space<vmem>>
      tpu.enqueue_dma source(%dma_start3A_413 : memref<192xi32, #tpu.memory_space<vmem>>) target(%dma_start3A_412 : memref<192xi32, #tpu.memory_space<hbm>>) target_semaphore(%arg17 : memref<!tpu.dma_semaphore, #tpu.memory_space<semaphore_mem>>)
    }
    %dma_wait3A = arith.constant 0 : i32
    %dma_wait3A_35 = arith.constant 0 : i32
    %dma_wait3A_36 = arith.constant 0 : i32
    %dma_wait3A_37 = arith.constant 0 : i32
    %dma_wait3A_38 = tpu.memref_slice %arg8[%dma_wait3A, %dma_wait3A_36, %dma_wait3A_37] : memref<2x192x128xf32, #tpu.memory_space<vmem>> -> memref<1x192x128xf32, #tpu.memory_space<vmem>>
    %dma_wait3A_39 = tpu.memref_squeeze %dma_wait3A_38 : memref<1x192x128xf32, #tpu.memory_space<vmem>> -> memref<192x128xf32, #tpu.memory_space<vmem>>
    %dma_wait3A_40 = arith.constant 0 : i32
    %dma_wait3A_41 = tpu.memref_slice %arg5[%dma_wait3A_35, %dma_wait3A_40] : memref<490000x128xf32, #tpu.memory_space<hbm>> -> memref<192x128xf32, #tpu.memory_space<hbm>>
    %dma_wait3A_42 = arith.constant 0 : i32
    %dma_wait3A_43 = tpu.memref_slice %arg5[%dma_wait3A_35, %dma_wait3A_42] : memref<490000x128xf32, #tpu.memory_space<hbm>> -> memref<192x128xf32, #tpu.memory_space<hbm>>
    %dma_wait3A_44 = arith.constant 0 : i32
    %dma_wait3A_45 = arith.constant 0 : i32
    %dma_wait3A_46 = tpu.memref_slice %arg8[%dma_wait3A, %dma_wait3A_44, %dma_wait3A_45] : memref<2x192x128xf32, #tpu.memory_space<vmem>> -> memref<1x192x128xf32, #tpu.memory_space<vmem>>
    %dma_wait3A_47 = tpu.memref_squeeze %dma_wait3A_46 : memref<1x192x128xf32, #tpu.memory_space<vmem>> -> memref<192x128xf32, #tpu.memory_space<vmem>>
    tpu.wait_dma2 semaphore(%arg16 : memref<!tpu.dma_semaphore, #tpu.memory_space<semaphore_mem>>) src(%dma_wait3A_47 : memref<192x128xf32, #tpu.memory_space<vmem>>) dst(%dma_wait3A_43 : memref<192x128xf32, #tpu.memory_space<hbm>>)
    %dma_wait3A_48 = arith.constant 0 : i32
    %dma_wait3A_49 = arith.constant 0 : i32
    %dma_wait3A_50 = tpu.memref_slice %arg9[%dma_wait3A_48] : memref<384xi32, #tpu.memory_space<vmem>> -> memref<192xi32, #tpu.memory_space<vmem>>
    %dma_wait3A_51 = tpu.memref_slice %arg6[%dma_wait3A_49] : memref<490000xi32, #tpu.memory_space<hbm>> -> memref<192xi32, #tpu.memory_space<hbm>>
    %dma_wait3A_52 = tpu.memref_slice %arg6[%dma_wait3A_49] : memref<490000xi32, #tpu.memory_space<hbm>> -> memref<192xi32, #tpu.memory_space<hbm>>
    %dma_wait3A_53 = tpu.memref_slice %arg9[%dma_wait3A_48] : memref<384xi32, #tpu.memory_space<vmem>> -> memref<192xi32, #tpu.memory_space<vmem>>
    tpu.wait_dma2 semaphore(%arg16 : memref<!tpu.dma_semaphore, #tpu.memory_space<semaphore_mem>>) src(%dma_wait3A_53 : memref<192xi32, #tpu.memory_space<vmem>>) dst(%dma_wait3A_52 : memref<192xi32, #tpu.memory_space<hbm>>)
    %dma_wait3A_54 = arith.constant 1 : i32
    %dma_wait3A_55 = arith.constant 0 : i32
    %dma_wait3A_56 = arith.constant 0 : i32
    %dma_wait3A_57 = arith.constant 0 : i32
    %dma_wait3A_58 = tpu.memref_slice %arg8[%dma_wait3A_54, %dma_wait3A_56, %dma_wait3A_57] : memref<2x192x128xf32, #tpu.memory_space<vmem>> -> memref<1x192x128xf32, #tpu.memory_space<vmem>>
    %dma_wait3A_59 = tpu.memref_squeeze %dma_wait3A_58 : memref<1x192x128xf32, #tpu.memory_space<vmem>> -> memref<192x128xf32, #tpu.memory_space<vmem>>
    %dma_wait3A_60 = arith.constant 0 : i32
    %dma_wait3A_61 = tpu.memref_slice %arg5[%dma_wait3A_55, %dma_wait3A_60] : memref<490000x128xf32, #tpu.memory_space<hbm>> -> memref<192x128xf32, #tpu.memory_space<hbm>>
    %dma_wait3A_62 = arith.constant 0 : i32
    %dma_wait3A_63 = tpu.memref_slice %arg5[%dma_wait3A_55, %dma_wait3A_62] : memref<490000x128xf32, #tpu.memory_space<hbm>> -> memref<192x128xf32, #tpu.memory_space<hbm>>
    %dma_wait3A_64 = arith.constant 0 : i32
    %dma_wait3A_65 = arith.constant 0 : i32
    %dma_wait3A_66 = tpu.memref_slice %arg8[%dma_wait3A_54, %dma_wait3A_64, %dma_wait3A_65] : memref<2x192x128xf32, #tpu.memory_space<vmem>> -> memref<1x192x128xf32, #tpu.memory_space<vmem>>
    %dma_wait3A_67 = tpu.memref_squeeze %dma_wait3A_66 : memref<1x192x128xf32, #tpu.memory_space<vmem>> -> memref<192x128xf32, #tpu.memory_space<vmem>>
    tpu.wait_dma2 semaphore(%arg17 : memref<!tpu.dma_semaphore, #tpu.memory_space<semaphore_mem>>) src(%dma_wait3A_67 : memref<192x128xf32, #tpu.memory_space<vmem>>) dst(%dma_wait3A_63 : memref<192x128xf32, #tpu.memory_space<hbm>>)
    %dma_wait3A_68 = arith.constant 192 : i32
    %dma_wait3A_69 = arith.constant 0 : i32
    %dma_wait3A_70 = tpu.memref_slice %arg9[%dma_wait3A_68] : memref<384xi32, #tpu.memory_space<vmem>> -> memref<192xi32, #tpu.memory_space<vmem>>
    %dma_wait3A_71 = tpu.memref_slice %arg6[%dma_wait3A_69] : memref<490000xi32, #tpu.memory_space<hbm>> -> memref<192xi32, #tpu.memory_space<hbm>>
    %dma_wait3A_72 = tpu.memref_slice %arg6[%dma_wait3A_69] : memref<490000xi32, #tpu.memory_space<hbm>> -> memref<192xi32, #tpu.memory_space<hbm>>
    %dma_wait3A_73 = tpu.memref_slice %arg9[%dma_wait3A_68] : memref<384xi32, #tpu.memory_space<vmem>> -> memref<192xi32, #tpu.memory_space<vmem>>
    tpu.wait_dma2 semaphore(%arg17 : memref<!tpu.dma_semaphore, #tpu.memory_space<semaphore_mem>>) src(%dma_wait3A_73 : memref<192xi32, #tpu.memory_space<vmem>>) dst(%dma_wait3A_72 : memref<192xi32, #tpu.memory_space<hbm>>)
    return
  }
}

</mosaic_0001>

<sc_bundles>
// kernel: kernel.3.cloned.1.call-start
scs
__scs_entry_jumppad:
0x0: {  	(pc) =	sbr.rel $0x88, $3  }
0x1: {  	(tag) =	ssettag $0x0;
	lr =	simm.s32 $0x1  }
0x2: {  	[smem:$0x3F9D] =	sst lr;
	_ =	strace $0xD0000000  }
0x3: {  	_ = 	snop  }
0x4: {  	_ = 	snop  }
0x5: {  	_ = 	snop  }
0x6: {  	_ = 	snop  }
0x7: {  	_ = 	snop  }
__scs_overlays_trampoline_lowered:
0x8: {  	[smem:$0x3FAC] =	sst s0  }
0x9: {  	[smem:$0x3FAD] =	sst s1  }
0xa: {  	[smem:$0x3FAE] =	sst s2  }
0xb: {  	[smem:$0x3FAF] =	sst s3  }
0xc: {  	[smem:$0x3FB0] =	sst s4  }
0xd: {  	[smem:$0x3FB1] =	sst s5  }
0xe: {  	[smem:$0x3FB2] =	sst s6  }
0xf: {  	[smem:$0x3FB3] =	sst s7  }
0x10: {  	[smem:$0x3FB4] =	sst s8  }
0x11: {  	[smem:$0x3FB5] =	sst s9;
	s0 =	simm.s32 @!p0 $0x0  }
0x12: {  	s1 =	sld [smem:$0x3F9B];
	s0 =	simm.s32 @p0 $0x1  }
0x13: {  	[smem:$0x3FB6] =	sst s0;
	s0 =	simm.s32 @!p1 $0x0  }
0x14: {  	s2 =	sld [smem:$0x3F9A];
	s0 =	simm.s32 @p1 $0x1  }
0x15: {  	[smem:$0x3FB7] =	sst s0;
	s0 =	simm.s32 @!p2 $0x0  }
0x16: {  	s3 =	sld [smem:$0x3FDB];
	s0 =	simm.s32 @p2 $0x1  }
0x17: {  	s4 =	simm.s32 $0x1BF5;
	[smem:$0x3FB9] =	sst s0  }
0x18: {  	s0 =	sld [smem:$0x3F9C];
	_ =	swait.ge [sflag:s4], $0x0  }
0x19: {  	s7 =	sld [smem:$0x3F9D]  }
0x1a: {  	s8 =	sadd.s32 $0xFFFFE003, lr  }
0x1b: {  	s9 =	sadd.s32 $0xFFFFFEF7, lr;
	s5 =	simm.s32 $0xFFFFFFFF;
	p2 =	slt.u32 s8, $0xFFFFF086  }
0x1c: {  	p1 =	slt.u32 s9, $0xF7A;
	s5 =	simm.s32 @!p2 $0x0  }
0x1d: {  	s5 =	simm.s32 @p1 $0x1;
	p0 =	seq.s32 s7, s2  }
0x1e: {  	s7 =	smul.u32 @!p0 $0xF7A, s2;
	p2 =	seq.s32 @!p0 s5, $0x0  }
0x1f: {  	s9 =	smul.u32 $0xF7A, s1;
	s8 =	simm.s32 @!p0 $0x1BF5;
	p2 =	por !p2, p0  }
0x20: {  	[sflag:s8] =	ssyncset.s32 @!p0 $0xFFFFF086;
	s6 =	sadd.s32 @!p0 s3, s7;
	s7 =	simm.s32 @!p0 $0x108  }
0x21: {  	s3 =	sadd.s32 s3, s9;
	s6 =	sadd.s32 @!p0 $0x88, s6;
	s7 =	simm.s32 @p2 $0x1082  }
0x22: {  	[simem:s7], [sflag:s8] =	dma.local @!p0 [hbm:s6], $0xF7A  }
0x23: {  	s9 =	sor.u32 $0xD0000000, s2;
	s6 =	simm.s32 $0x108;
	_ =	swait.ge @!p0 [sflag:s8], $0x0  }
0x24: {  	s3 =	sadd.s32 $0x88, s3;
	s6 =	simm.s32 @!p1 $0x1082;
	[sflag:s4] =	ssyncset.s32 $0xFFFFF086  }
0x25: {  	[simem:s6], [sflag:s4] =	dma.local [hbm:s3], $0xF7A  }
0x26: {  	[smem:$0x3F9D] =	sst s1;
	(tag) =	ssettag s2;
	_ =	strace s9  }
0x27: {  	s1 =	sld [smem:$0x3FAD]  }
0x28: {  	s2 =	sld [smem:$0x3FAE]  }
0x29: {  	s4 =	sld [smem:$0x3FB0]  }
0x2a: {  	p0 =	seq.s32 s5, $0x0;
	s5 =	sld [smem:$0x3FB1]  }
0x2b: {  	s6 =	sld [smem:$0x3FB2]  }
0x2c: {  	s7 =	sld [smem:$0x3FB3]  }
0x2d: {  	s3 =	simm.s32 $0x108;
	s8 =	sld [smem:$0x3FB4]  }
0x2e: {  	s3 =	simm.s32 @!p0 $0x1082;
	s9 =	sld [smem:$0x3FB5]  }
0x2f: {  	lr =	sadd.s32 s0, s3;
	s0 =	sld [smem:$0x3FAC]  }
0x30: {  	s3 =	sld [smem:$0x3FAF]  }
0x31: {  	[smem:$0x3FB8] =	sst s10  }
0x32: {  	s10 =	sld [smem:$0x3FB6];
	_ =	sdelay $0x3  }
0x33: {  	p0 =	seq.s32 s10, $0x1;
	s10 =	sld [smem:$0x3FB8];
	_ =	sdelay $0x3  }
0x34: {  	[smem:$0x3FB8] =	sst s10  }
0x35: {  	s10 =	sld [smem:$0x3FB7];
	_ =	sdelay $0x3  }
0x36: {  	p1 =	seq.s32 s10, $0x1;
	s10 =	sld [smem:$0x3FB8];
	_ =	sdelay $0x3  }
0x37: {  	[smem:$0x3FB8] =	sst s10  }
0x38: {  	s10 =	sld [smem:$0x3FB9]  }
0x39: {  	_ = 	snop;
	(pc) =	sbr.ind lr, $3  }
0x3a: {  	_ = 	snop  }
0x3b: {  	_ = 	snop  }
0x3c: {  	p2 =	seq.s32 s10, $0x1;
	s10 =	sld [smem:$0x3FB8]  }
0x3d: {  	_ =	shalt  }
0x3e: {  	_ =	shalt  }
0x3f: {  	_ =	shalt  }
0x40: {  	_ =	shalt  }
0x41: {  	_ =	shalt  }
0x42: {  	_ =	shalt  }
0x43: {  	_ =	shalt  }
0x44: {  	_ =	shalt  }
0x45: {  	_ =	shalt  }
0x46: {  	_ =	shalt  }
0x47: {  	_ =	shalt  }
0x48: {  	_ =	shalt  }
0x49: {  	_ =	shalt  }
0x4a: {  	_ =	shalt  }
0x4b: {  	_ =	shalt  }
0x4c: {  	_ =	shalt  }
0x4d: {  	_ =	shalt  }
0x4e: {  	_ =	shalt  }
0x4f: {  	_ =	shalt  }
0x50: {  	_ =	shalt  }
0x51: {  	_ =	shalt  }
0x52: {  	_ =	shalt  }
0x53: {  	_ =	shalt  }
0x54: {  	_ =	shalt  }
0x55: {  	_ =	shalt  }
0x56: {  	_ =	shalt  }
0x57: {  	_ =	shalt  }
0x58: {  	_ =	shalt  }
0x59: {  	_ =	shalt  }
0x5a: {  	_ =	shalt  }
0x5b: {  	_ =	shalt  }
0x5c: {  	_ =	shalt  }
0x5d: {  	_ =	shalt  }
0x5e: {  	_ =	shalt  }
0x5f: {  	_ =	shalt  }
0x60: {  	_ =	shalt  }
0x61: {  	_ =	shalt  }
0x62: {  	_ =	shalt  }
0x63: {  	_ =	shalt  }
0x64: {  	_ =	shalt  }
0x65: {  	_ =	shalt  }
0x66: {  	_ =	shalt  }
0x67: {  	_ =	shalt  }
0x68: {  	_ =	shalt  }
0x69: {  	_ =	shalt  }
0x6a: {  	_ =	shalt  }
0x6b: {  	_ =	shalt  }
0x6c: {  	_ =	shalt  }
0x6d: {  	_ =	shalt  }
0x6e: {  	_ =	shalt  }
0x6f: {  	_ =	shalt  }
0x70: {  	_ =	shalt  }
0x71: {  	_ =	shalt  }
0x72: {  	_ =	shalt  }
0x73: {  	_ =	shalt  }
0x74: {  	_ =	shalt  }
0x75: {  	_ =	shalt  }
0x76: {  	_ =	shalt  }
0x77: {  	_ =	shalt  }
0x78: {  	_ =	shalt  }
0x79: {  	_ =	shalt  }
0x7a: {  	_ =	shalt  }
0x7b: {  	_ =	shalt  }
0x7c: {  	_ =	shalt  }
0x7d: {  	_ =	shalt  }
0x7e: {  	_ =	shalt  }
0x7f: {  	_ =	shalt  }
0x80: {  	_ =	shalt  }
0x81: {  	_ =	shalt  }
0x82: {  	_ =	shalt  }
0x83: {  	_ =	shalt  }
0x84: {  	_ =	shalt  }
0x85: {  	_ =	shalt  }
0x86: {  	_ =	shalt  }
0x87: {  	_ =	shalt  }
.Lfunc_end0:
.L_simem_size_0:
called_computation_lowered:
.L_overlay_start_0:
0x88: {  	s2 =	sld [smem:$0x3FD9]  }
0x89: {  	s3 =	sld [smem:$0x3FFE];
	_ =	sdelay $0x1  }
0x8a: {  	s1 =	srdreg.scid  }
0x8b: {  	s0 =	sand.u32 $0x1, s1  }
0x8c: {  	s14 =	sshll.u32 s0, $0xA;
	s2 =	sadd.s32 s3, s2  }
0x8d: {  	s2 =	sadd.s32 s2, s14  }
0x8e: {  	[smem:$0x3FC4] =	sst s2  }
0x8f: {  	_ = 	snop  }
0x90: {  	s2 =	sld [smem:$0x3FD0];
	_ =	sdelay $0x2  }
0x91: {  	s4 =	simm.s32 $0xA;
	s5 =	simm.s32 $0x10;
	s15 =	sld [smem:$0x3FC9]  }
0x92: {  	[smem:s5], [sflag:s4] =	dma.local [hbm:s2], $0x1  }
0x93: {  	_ =	swait.eq [sflag:s4], $0x1  }
0x94: {  	[sflag:s4] =	ssyncset.done $0x0  }
0x95: {  	s16 =	sld [smem:$0x10];
	[sflag:s4] =	ssyncadd.s32 $0xFFFFFFFF  }
0x96: {  	s17 =	sld [smem:$0x13];
	(tm) =	ssettm $0x1  }
0x97: {  	s18 =	sld [smem:$0x3FFB];
	_ =	sdelay $0x3  }
0x98: {  	_ =	strace s18  }
0x99: {  	s5 =	sld [smem:$0x3FFC];
	_ =	sdelay $0x3  }
0x9a: {  	_ =	strace s5  }
0x9b: {  	s5 =	sld [smem:$0x3FFD];
	_ =	sdelay $0x3  }
0x9c: {  	_ =	strace s5  }
0x9d: {  	_ =	strace $0x8FFFFFFF  }
0x9e: {  	s19 =	sld [smem:$0x3FDB];
	_ =	sdelay $0x1  }
0x9f: {  	s6 =	simm.s32 $_scs_section_size  }
0xa0: {  	s7 =	simm.s32 $_size__tile_overlayer_lowered;
	s8 =	simm.s32 $_tile_overlayer_lowered  }
0xa1: {  	s22 =	simm.s32 $0x1BFF;
	s21 =	sshll.u32 s8, $0x1;
	s5 =	sadd.s32 s6, s19  }
0xa2: {  	s9 =	simm.s32 $0x0;
	s20 =	sshll.u32 s7, $0x1;
	s7 =	sadd.s32 s21, s5  }
0xa3: {  	[timem:s9], [sflag:s22] =	dma.local [hbm:s7], s20  }
0xa4: {  	_ =	swait.ge [sflag:s22], s20  }
0xa5: {  	s6 =	ssub.s32 $0x0, s20;
	[sflag:s22] =	ssyncset.done $0x0  }
0xa6: {  	[sflag:s22] =	ssyncadd.s32 s6;
	_ =	sdelay $0x1  }
0xa7: {  	s23 =	simm.s32 $0x1B8B  }
0xa8: {  	_ =	swait.ge [sflag:s23], $0x1  }
0xa9: {  	[sflag:s23] =	ssyncset.done $0x0  }
0xaa: {  	s25 =	simm.s32 $0x1B8E;
	s24 =	sld [smem:$0x3FFE];
	[sflag:s23] =	ssyncadd.s32 $0xFFFFFFFF  }
0xab: {  	s26 =	simm.s32 $execute0_lowered;
	[smem:$0x3FD2] =	sst s25  }
0xac: {  	s7 =	sshll.u32 s26, $0x1;
	_ =	strace $0x80000046;
	[dreg:$0x1] =	wrdreg $0xFFFFFFFF  }
0xad: {  	s28 =	simm.s32 $_size_execute0_lowered;
	s5 =	sadd.s32 s5, s7;
	[dreg:$0x0] =	wrdreg $0x0  }
0xae: {  	s7 =	sshll.u32 s28, $0x1;
	[dreg:$0x2] =	wrdreg s5  }
0xaf: {  	[dreg:$0x3] =	wrdreg s7  }
0xb0: {  	[dreg:$0x4] =	wrdreg $0xC0  }
0xb1: {  	_ =	task [dreg:s9], $0x5FFFF  }
0xb2: {  	[dreg:$0x1] =	wrdreg $0xFFFFFFFF  }
0xb3: {  	[dreg:$0x0] =	wrdreg $0x60  }
0xb4: {  	[dreg:$0x2] =	wrdreg s15  }
0xb5: {  	[dreg:$0x3] =	wrdreg s24  }
0xb6: {  	[dreg:$0x4] =	wrdreg s17  }
0xb7: {  	[dreg:$0x5] =	wrdreg s16  }
0xb8: {  	[dreg:$0x6] =	wrdreg $0xC3000  }
0xb9: {  	[dreg:$0x7] =	wrdreg $0x1FB800  }
0xba: {  	[dreg:$0x8] =	wrdreg $0x9  }
0xbb: {  	_ =	task.clear_ibuf [dreg:s9], $0x9FFFF;
	_ =	strace $0x90000046  }
0xbc: {  	s29 =	simm.s32 $0x9;
	_ =	strace $0x80000048  }
0xbd: {  	_ =	swait.ge [sflag:s29], $0x1  }
0xbe: {  	[sflag:s29] =	ssyncadd.s32 $0xFFFFFFFF  }
0xbf: {  	_ =	strace $0x90000048  }
0xc0: {  	_ =	sfence  }
0xc1: {  	s30 =	sld [smem:$0x0];
	_ =	sdelay $0x2  }
0xc2: {  	s31 =	sshll.u32 s1, $0xD;
	s1 =	sshrl.u32 s1, $0x2  }
0xc3: {  	s3 =	sand.u32 $0x4000, s31;
	s1 =	sadd.s32 s1, s30  }
0xc4: {  	s0 =	sor.u32 s3, s0;
	s1 =	sshll.u32 s1, $0x11  }
0xc5: {  	s0 =	sor.u32 s1, s0  }
0xc6: {  	s0 =	sadd.s32 $0x8F2B, s0  }
0xc7: {  	[sflag:s0] =	ssyncadd.remote.s32 $0x1  }
0xc8: {  	_ =	sfence.sel $0xFFFF  }
0xc9: {  	[dreg:$0x0] =	wrdreg $0xFFFFFFFF;
	(pc) =	sbr.abs _section_cstart, $3  }
0xca: {  	[dreg:$0x1] =	wrdreg $0xFFFFFFFF  }
0xcb: {  	_ =	task.clear_ibuf [dreg:s9], $0x2FFFF;
	_ =	strace $0x9FFFFFFF  }
0xcc: {  	(tm) =	ssettm $0x7FFFFFFF  }
0xcd: {  	_ =	shalt  }
tec
execute0_lowered:
.L_overlay_start_1:
0x0: {  	(tag) =	ssettag $0x1  }
0x1: {  	s0 =	rddreg [dreg:$0x0]  }
0x2: {  	s1 =	rddreg [dreg:$0x1]  }
0x3: {  	s5 =	rddreg [dreg:$0x2]  }
0x4: {  	s6 =	rddreg [dreg:$0x3];
	s3 =	srdreg.scid  }
0x5: {  	s15 =	stileid.u32;
	s2 =	rddreg [dreg:$0x4]  }
0x6: {  	s28 =	simm.s32 $0x90;
	s29 =	simm.s32 $0x3;
	s30 =	simm.s32 $0x2  }
0x7: {  	s7 =	sand.u32 $0x1, s3;
	s4 =	sshll.u32 s15, $0x1;
	s10 =	smul.u32 $0x278, s15  }
0x8: {  	s31 =	simm.s32 $0x6180;
	s16 =	smul.u32 $0x2780, s15;
	s4 =	sor.u32 s7, s4  }
0x9: {  	s3 =	rddreg [dreg:$0x5];
	s9 =	ssub.s32 $0x2, s7;
	s8 =	smul.u32 $0x3C00, s4  }
0xa: {  	s4 =	simm.s32 $0x0;
	s11 =	sshrl.u32 s9, $0x1;
	s14 =	sshrl.u32 s10, $0x3  }
0xb: {  	[smem:$0x7FF] =	sst s4;
	s9 =	ssub.s32 s9, s11;
	s11 =	sadd.s32 s0, s16  }
0xc: {  	s17 =	sadd.s32 s5, s14;
	_ =	strace $0x80000047;
	[dreg:$0x15] =	wrdreg s11  }
0xd: {  	s18 =	sadd.s32 $0x180, s10;
	s10 =	sadd.s32 s10, s3;
	[dreg:$0x16] =	wrdreg s17  }
0xe: {  	s12 =	smul.u32 $0x4F000, s15;
	s20 =	sadd.s32 s18, s3;
	[dreg:$0x17] =	wrdreg s10  }
0xf: {  	s13 =	smul.u32 $0x7800, s15;
	s0 =	sadd.s32 $0x25080, s0;
	[dreg:$0x19] =	wrdreg s20  }
0x10: {  	s22 =	sadd.s32 $0x4A1, s5;
	p0 =	seq.s32 s15, $0xF;
	[dreg:$0x1a] =	wrdreg s0  }
0x11: {  	s7 =	smul.u32 $0x3C00, s7;
	s23 =	sadd.s32 $0x2508, s3;
	[dreg:$0x1b] =	wrdreg s22  }
0x12: {  	s24 =	sadd.s32 $0x2688, s3;
	s12 =	sshrl.u32 s12, $0x2;
	[dreg:$0x1c] =	wrdreg s23  }
0x13: {  	s12 =	sadd.s32 s12, s2;
	s16 =	simm.s32 $0x1980;
	[dreg:$0x1e] =	wrdreg s24  }
0x14: {  	s19 =	sshrl.u32 s18, $0x3;
	s18 =	simm.s32 $0xC1B0;
	[dreg:$0xb] =	wrdreg s16  }
0x15: {  	s7 =	sadd.s32 s7, s13;
	s10 =	sadd.s32 s5, s19;
	[dreg:$0xc] =	wrdreg s18  }
0x16: {  	s8 =	smin.u32 s8, $0x73E10;
	s5 =	sadd.s32 $0x4D1, s5;
	[dreg:$0x18] =	wrdreg s10  }
0x17: {  	s7 =	smin.u32 s7, $0x73E10;
	s14 =	smax.u32 s9, $0x1;
	[dreg:$0x1d] =	wrdreg s5  }
0x18: {  	s19 =	simm.s32 $0x3180;
	s20 =	simm.s32 $0xC1E0;
	[smem:$0x7FA] =	sst s14  }
0x19: {  	s22 =	simm.s32 $0xC210;
	s23 =	simm.s32 $0x7980;
	[dreg:$0xd] =	wrdreg s19  }
0x1a: {  	s24 =	simm.s32 $0xC270;
	s9 =	simm.s32 $0x4;
	[dreg:$0xe] =	wrdreg s20  }
0x1b: {  	s10 =	sadd.s32 $0x128400, s2;
	s21 =	sshrl.u32 s7, $0x3;
	[dreg:$0x10] =	wrdreg s22  }
0x1c: {  	s8 =	sshrl.u32 s8, $0x3;
	s17 =	sshll.u32 s7, $0x4;
	[dreg:$0x11] =	wrdreg s23  }
0x1d: {  	s22 =	simm.s32 $0x1;
	[dreg:$0x12] =	wrdreg s24;
	s8 =	sadd.s32 s1, s8  }
0x1e: {  	s0 =	sadd.s32 s21, s1;
	s21 =	simm.s32 $0x4980;
	[dreg:$0x1f] =	wrdreg s8  }
0x1f: {  	s23 =	simm.s32 $0x30;
	s25 =	sadd.s32 $0xF018, s0;
	[dreg:$0xf] =	wrdreg s21  }
0x20: {  	s24 =	simm.s32 $0x180;
	s26 =	sadd.s32 $0x48, s0;
	[dreg:$0x7] =	wrdreg s25  }
0x21: {  	s5 =	simm.s32 $0x120;
	s13 =	sadd.s32 $0x18, s8;
	[dreg:$0x8] =	wrdreg s26  }
0x22: {  	s7 =	simm.s32 $0xA980;
	s11 =	sadd.s32 $0xF000, s0;
	[smem:$0x7F9] =	sst s13  }
0x23: {  	s1 =	sadd.s32 s17, s6;
	s0 =	sadd.s32 $0x30, s0;
	[dreg:$0x9] =	wrdreg s11  }
0x24: {  	s6 =	simm.s32 $0x150;
	s1 =	sadd.s32 $0xC00, s1;
	[dreg:$0xa] =	wrdreg s0  }
0x25: {  	s21 =	simm.s32 $0xC0;
	s8 =	simm.s32 $0xC2D0;
	[smem:$0x7FB] =	sst s1  }
0x26: {  	s1 =	sshrl.u32 @p0 s10, $0x3;
	s25 =	simm.s32 $0x9180;
	s26 =	simm.s32 $0xC2A0  }
0x27: {  	s0 =	simm.s32 $0xF0;
	s10 =	simm.s32 $0x5;
	[smem:$0x7FC] =	sst s1  }
0x28: {  	s11 =	simm.s32 $0x6;
	s1 =	sshrl.u32 @!p0 s12, $0x3;
	[dreg:$0x13] =	wrdreg s25  }
0x29: {  	[dreg:$0x14] =	wrdreg s26;
	s25 =	simm.s32 $0xC180;
	s26 =	simm.s32 $0x60  }
0x2a: {  	s12 =	simm.s32 $0x0;
	[smem:$0x7FD] =	sst s1;
	s1 =	simm.s32 $0xC240  }
.LBB2_1:
0x2b: {  	s15 =	sld [smem:$0x7FC];
	_ =	sdelay $0x1  }
0x2c: {  	s13 =	simm.s32 @p0 $0x1FC7;
	s14 =	rddreg [dreg:$0x1a]  }
0x2d: {  	[spmem:s15], [sflag:s13] =	dma.local @p0 [hbm:s14], $0x2080  }
0x2e: {  	s13 =	simm.s32 @p0 $0x7  }
0x2f: {  	_ =	swait.ge @p0 [sflag:s13], $0x2080  }
0x30: {  	[sflag:s13] =	ssyncset.done @p0 $0x0  }
0x31: {  	s15 =	simm.s32 @p0 $0x0;
	s14 =	rddreg [dreg:$0x1b];
	[sflag:s13] =	ssyncadd.s32 @p0 $0xFFFFDF80  }
0x32: {  	[tilespmem:s15], [sflag:$0x7] =	stream.linear.gather @p0 [hbm4b:s14+s15], $0x180, $0x38;
	[tilespmem:$0x1FDF8] =	vst v63  }
0x33: {  	_ =	swait.ge @p0 [sflag:s13], $0x180  }
0x34: {  	[sflag:s13] =	ssyncset.done @p0 $0x0  }
0x35: {  	s14 =	rddreg [dreg:$0x1c];
	[sflag:s13] =	ssyncadd.s32 @p0 $0xFFFFFE80  }
0x36: {  	[spmem:s14] =	stream.linear.scatter @p0 [tilespmem:s15], [sflag:$0x7], $0x180, $0x38;
	[tilespmem:$0x1FDF8] =	vst v63  }
0x37: {  	_ =	swait.ge @p0 [sflag:s13], $0x180  }
0x38: {  	[sflag:s13] =	ssyncset.done @p0 $0x0  }
0x39: {  	s14 =	rddreg [dreg:$0x1d];
	[sflag:s13] =	ssyncadd.s32 @p0 $0xFFFFFE80  }
0x3a: {  	[tilespmem:s15], [sflag:$0x7] =	stream.linear.gather @p0 [hbm4b:s14+s15], $0x88, $0x38;
	[tilespmem:$0x1FDF8] =	vst v63  }
0x3b: {  	_ =	swait.ge @p0 [sflag:s13], $0x88  }
0x3c: {  	[sflag:s13] =	ssyncset.done @p0 $0x0  }
0x3d: {  	s14 =	rddreg [dreg:$0x1e];
	[sflag:s13] =	ssyncadd.s32 @p0 $0xFFFFFF78  }
0x3e: {  	[spmem:s14] =	stream.linear.scatter @p0 [tilespmem:s15], [sflag:$0x7], $0x88, $0x38;
	[tilespmem:$0x1FDF8] =	vst v63  }
0x3f: {  	s14 =	stileid.u32;
	_ =	swait.ge @p0 [sflag:s13], $0x88  }
0x40: {  	s15 =	sshll.u32 @!p0 s14, $0x6;
	[sflag:s13] =	ssyncset.done @p0 $0x0  }
0x41: {  	[sflag:s13] =	ssyncadd.s32 @p0 $0xFFFFFF78;
	s13 =	sor.u32 @!p0 $0x1C07, s15;
	s15 =	sld [smem:$0x7FD]  }
0x42: {  	_ = 	snop  }
0x43: {  	s14 =	rddreg [dreg:$0x15]  }
0x44: {  	[spmem:s15], [sflag:s13] =	dma.local @!p0 [hbm:s14], $0x2780  }
0x45: {  	s13 =	simm.s32 @!p0 $0x7  }
0x46: {  	_ =	swait.ge @!p0 [sflag:s13], $0x2780  }
0x47: {  	[sflag:s13] =	ssyncset.done @!p0 $0x0  }
0x48: {  	s15 =	simm.s32 @!p0 $0x0;
	s14 =	rddreg [dreg:$0x16];
	[sflag:s13] =	ssyncadd.s32 @!p0 $0xFFFFD880  }
0x49: {  	[tilespmem:s15], [sflag:$0x7] =	stream.linear.gather @!p0 [hbm4b:s14+s15], $0x180, $0x38;
	[tilespmem:$0x1FDF8] =	vst v63  }
0x4a: {  	_ =	swait.ge @!p0 [sflag:s13], $0x180  }
0x4b: {  	[sflag:s13] =	ssyncset.done @!p0 $0x0  }
0x4c: {  	s14 =	rddreg [dreg:$0x17];
	[sflag:s13] =	ssyncadd.s32 @!p0 $0xFFFFFE80  }
0x4d: {  	[spmem:s14] =	stream.linear.scatter @!p0 [tilespmem:s15], [sflag:$0x7], $0x180, $0x38;
	[tilespmem:$0x1FDF8] =	vst v63  }
0x4e: {  	_ =	swait.ge @!p0 [sflag:s13], $0x180  }
0x4f: {  	[sflag:s13] =	ssyncset.done @!p0 $0x0  }
0x50: {  	s14 =	rddreg [dreg:$0x18];
	[sflag:s13] =	ssyncadd.s32 @!p0 $0xFFFFFE80  }
0x51: {  	[tilespmem:s15], [sflag:$0x7] =	stream.linear.gather @!p0 [hbm4b:s14+s15], $0xF8, $0x38;
	[tilespmem:$0x1FDF8] =	vst v63  }
0x52: {  	_ =	swait.ge @!p0 [sflag:s13], $0xF8  }
0x53: {  	[sflag:s13] =	ssyncset.done @!p0 $0x0  }
0x54: {  	s14 =	rddreg [dreg:$0x19];
	[sflag:s13] =	ssyncadd.s32 @!p0 $0xFFFFFF08  }
0x55: {  	[spmem:s14] =	stream.linear.scatter @!p0 [tilespmem:s15], [sflag:$0x7], $0xF8, $0x38;
	[tilespmem:$0x1FDF8] =	vst v63  }
0x56: {  	_ =	swait.ge @!p0 [sflag:s13], $0xF8  }
0x57: {  	[sflag:s13] =	ssyncset.done @!p0 $0x0  }
0x58: {  	[sflag:s13] =	ssyncadd.s32 @!p0 $0xFFFFFF08  }
0x59: {  	[bflag:$0x0] =	sbarrier.arrive $0xFFFF  }
0x5a: {  	s20 =	rddreg [dreg:$0x1f]  }
0x5b: {  	p1 =	por $0x1, $0x1;
	s14 =	sld [smem:$0x7F9]  }
0x5c: {  	[tilespmem:s4], [sflag:$0x1] =	stream.linear.gather [hbm4b:s20+s4], $0xC0, $0x38;
	[tilespmem:$0x1FDF8] =	vst v63  }
0x5d: {  	s13 =	simm.s32 @!p1 $0x5  }
0x5e: {  	[tilespmem:s21], [sflag:$0x2] =	stream.linear.gather [hbm4b:s14+s4], $0xC0, $0x38;
	[tilespmem:$0x1FDF8] =	vst v63  }
0x5f: {  	_ =	swait.ge @!p1 [sflag:s13], $0x6000  }
0x60: {  	[sflag:s13] =	ssyncset.done @!p1 $0x0  }
0x61: {  	[sflag:s13] =	ssyncadd.s32 @!p1 $0xFFFFA000  }
0x62: {  	_ =	swait.ge @!p1 [sflag:s13], $0xC0  }
0x63: {  	[sflag:s13] =	ssyncset.done @!p1 $0x0  }
0x64: {  	[sflag:s13] =	ssyncadd.s32 @!p1 $0xFFFFFF40  }
0x65: {  	_ =	swait.ge [sflag:s22], $0xC0  }
0x66: {  	[sflag:s22] =	ssyncset.done $0x0  }
0x67: {  	[sflag:s22] =	ssyncadd.s32 $0xFFFFFF40  }
0x68: {  	[tilespmem:s24], [sflag:$0x3] =	stream.indirect.gather [spmem:s2], $0x80, s4, s23, $0xb8;
	[tilespmem:$0x1FDF8] =	vst v63  }
0x69: {  	_ = 	snop  }
0x6a: {  	[tilespmem:s25], [sflag:$0x3] =	stream.indirect.gather [spmem:s3], $0x1, s4, s23, $0xb8;
	[tilespmem:$0x1FDF8] =	vst v63  }
0x6b: {  	s15 =	rddreg [dreg:$0xb]  }
0x6c: {  	[tilespmem:s15], [sflag:$0x3] =	stream.indirect.gather [spmem:s2], $0x80, s23, s23, $0xb8;
	[tilespmem:$0x1FDF8] =	vst v63  }
0x6d: {  	s16 =	rddreg [dreg:$0xc]  }
0x6e: {  	[tilespmem:s16], [sflag:$0x3] =	stream.indirect.gather [spmem:s3], $0x1, s23, s23, $0xb8;
	[tilespmem:$0x1FDF8] =	vst v63  }
0x6f: {  	s17 =	rddreg [dreg:$0xd]  }
0x70: {  	[tilespmem:s17], [sflag:$0x3] =	stream.indirect.gather [spmem:s2], $0x80, s26, s23, $0xb8;
	[tilespmem:$0x1FDF8] =	vst v63  }
0x71: {  	s18 =	rddreg [dreg:$0xe]  }
0x72: {  	[tilespmem:s18], [sflag:$0x3] =	stream.indirect.gather [spmem:s3], $0x1, s26, s23, $0xb8;
	[tilespmem:$0x1FDF8] =	vst v63  }
0x73: {  	s19 =	rddreg [dreg:$0xf]  }
0x74: {  	[tilespmem:s19], [sflag:$0x3] =	stream.indirect.gather [spmem:s2], $0x80, s28, s23, $0xb8;
	[tilespmem:$0x1FDF8] =	vst v63  }
0x75: {  	s20 =	rddreg [dreg:$0x10]  }
0x76: {  	[tilespmem:s20], [sflag:$0x3] =	stream.indirect.gather [spmem:s3], $0x1, s28, s23, $0xb8;
	[tilespmem:$0x1FDF8] =	vst v63  }
0x77: {  	_ =	swait.ge [sflag:s29], $0x1800  }
0x78: {  	[sflag:s29] =	ssyncset.done $0x0  }
0x79: {  	[sflag:s29] =	ssyncadd.s32 $0xFFFFE800  }
0x7a: {  	_ =	swait.ge [sflag:s29], $0x30  }
0x7b: {  	[sflag:s29] =	ssyncset.done $0x0  }
0x7c: {  	[sflag:s29] =	ssyncadd.s32 $0xFFFFFFD0  }
0x7d: {  	_ =	swait.ge [sflag:s29], $0x1800  }
0x7e: {  	[sflag:s29] =	ssyncset.done $0x0  }
0x7f: {  	[sflag:s29] =	ssyncadd.s32 $0xFFFFE800  }
0x80: {  	_ =	swait.ge [sflag:s29], $0x30  }
0x81: {  	[sflag:s29] =	ssyncset.done $0x0  }
0x82: {  	[sflag:s29] =	ssyncadd.s32 $0xFFFFFFD0  }
0x83: {  	_ =	swait.ge [sflag:s29], $0x1800  }
0x84: {  	[sflag:s29] =	ssyncset.done $0x0  }
0x85: {  	[sflag:s29] =	ssyncadd.s32 $0xFFFFE800  }
0x86: {  	_ =	swait.ge [sflag:s29], $0x30  }
0x87: {  	[sflag:s29] =	ssyncset.done $0x0  }
0x88: {  	[sflag:s29] =	ssyncadd.s32 $0xFFFFFFD0  }
0x89: {  	_ =	swait.ge [sflag:s29], $0x1800  }
0x8a: {  	[sflag:s29] =	ssyncset.done $0x0  }
0x8b: {  	[sflag:s29] =	ssyncadd.s32 $0xFFFFE800  }
0x8c: {  	_ =	swait.ge [sflag:s29], $0x30  }
0x8d: {  	s13 =	rddreg [dreg:$0xa]  }
0x8e: {  	p2 =	por $0x0, $0x0;
	[sflag:s29] =	ssyncset.done $0x0;
	s18 =	sld [smem:$0x7FB]  }
0x8f: {  	s16 =	simm.s32 @!p2 $0x0;
	[sflag:s29] =	ssyncadd.s32 $0xFFFFFFD0;
	s13 =	sadd.s32 @!p2 $0x0, s13  }
0x90: {  	[tilespmem:s16], [sflag:$0x1] =	stream.linear.gather @!p2 [hbm4b:s13+s16], $0xC0, $0x38;
	[tilespmem:$0x1FDF8] =	vst v63  }
0x91: {  	s14 =	rddreg [dreg:$0x9];
	s17 =	sadd.s32 $0xFFFFF400, s18  }
0x92: {  	[hbm4b:s17+s4] =	stream.linear.scatter [tilespmem:s24], [sflag:$0x5], $0x6000, $0x38;
	[tilespmem:$0x1FDF8] =	vst v63  }
0x93: {  	s15 =	simm.s32 @!p1 $0x6;
	s19 =	sadd.s32 $0x0, s14  }
0x94: {  	[hbm4b:s19+s4] =	stream.linear.scatter [tilespmem:s25], [sflag:$0x5], $0xC0, $0x38;
	[tilespmem:$0x1FDF8] =	vst v63  }
0x95: {  	_ =	swait.ge @!p1 [sflag:s15], $0x6000  }
0x96: {  	[sflag:s15] =	ssyncset.done @!p1 $0x0  }
0x97: {  	[sflag:s15] =	ssyncadd.s32 @!p1 $0xFFFFA000  }
0x98: {  	_ =	swait.ge @!p1 [sflag:s15], $0xC0  }
0x99: {  	[sflag:s15] =	ssyncset.done @!p1 $0x0  }
0x9a: {  	[sflag:s15] =	ssyncadd.s32 @!p1 $0xFFFFFF40  }
0x9b: {  	_ =	swait.ge [sflag:s30], $0xC0  }
0x9c: {  	[sflag:s30] =	ssyncset.done $0x0  }
0x9d: {  	[sflag:s30] =	ssyncadd.s32 $0xFFFFFF40  }
0x9e: {  	[tilespmem:s31], [sflag:$0x4] =	stream.indirect.gather [spmem:s2], $0x80, s21, s23, $0xb8;
	[tilespmem:$0x1FDF8] =	vst v63  }
0x9f: {  	_ = 	snop  }
0xa0: {  	[tilespmem:s1], [sflag:$0x4] =	stream.indirect.gather [spmem:s3], $0x1, s21, s23, $0xb8;
	[tilespmem:$0x1FDF8] =	vst v63  }
0xa1: {  	s20 =	rddreg [dreg:$0x11]  }
0xa2: {  	[tilespmem:s20], [sflag:$0x4] =	stream.indirect.gather [spmem:s2], $0x80, s0, s23, $0xb8;
	[tilespmem:$0x1FDF8] =	vst v63  }
0xa3: {  	s14 =	rddreg [dreg:$0x12]  }
0xa4: {  	[tilespmem:s14], [sflag:$0x4] =	stream.indirect.gather [spmem:s3], $0x1, s0, s23, $0xb8;
	[tilespmem:$0x1FDF8] =	vst v63  }
0xa5: {  	s17 =	rddreg [dreg:$0x13]  }
0xa6: {  	[tilespmem:s17], [sflag:$0x4] =	stream.indirect.gather [spmem:s2], $0x80, s5, s23, $0xb8;
	[tilespmem:$0x1FDF8] =	vst v63  }
0xa7: {  	s19 =	rddreg [dreg:$0x14]  }
0xa8: {  	[tilespmem:s19], [sflag:$0x4] =	stream.indirect.gather [spmem:s3], $0x1, s5, s23, $0xb8;
	[tilespmem:$0x1FDF8] =	vst v63  }
0xa9: {  	_ = 	snop  }
0xaa: {  	[tilespmem:s7], [sflag:$0x4] =	stream.indirect.gather [spmem:s2], $0x80, s6, s23, $0xb8;
	[tilespmem:$0x1FDF8] =	vst v63  }
0xab: {  	_ = 	snop  }
0xac: {  	[tilespmem:s8], [sflag:$0x4] =	stream.indirect.gather [spmem:s3], $0x1, s6, s23, $0xb8;
	[tilespmem:$0x1FDF8] =	vst v63  }
0xad: {  	_ =	swait.ge [sflag:s9], $0x1800  }
0xae: {  	[sflag:s9] =	ssyncset.done $0x0  }
0xaf: {  	[sflag:s9] =	ssyncadd.s32 $0xFFFFE800  }
0xb0: {  	_ =	swait.ge [sflag:s9], $0x30  }
0xb1: {  	[sflag:s9] =	ssyncset.done $0x0  }
0xb2: {  	[sflag:s9] =	ssyncadd.s32 $0xFFFFFFD0  }
0xb3: {  	_ =	swait.ge [sflag:s9], $0x1800  }
0xb4: {  	[sflag:s9] =	ssyncset.done $0x0  }
0xb5: {  	[sflag:s9] =	ssyncadd.s32 $0xFFFFE800  }
0xb6: {  	_ =	swait.ge [sflag:s9], $0x30  }
0xb7: {  	[sflag:s9] =	ssyncset.done $0x0  }
0xb8: {  	[sflag:s9] =	ssyncadd.s32 $0xFFFFFFD0  }
0xb9: {  	_ =	swait.ge [sflag:s9], $0x1800  }
0xba: {  	[sflag:s9] =	ssyncset.done $0x0  }
0xbb: {  	[sflag:s9] =	ssyncadd.s32 $0xFFFFE800  }
0xbc: {  	_ =	swait.ge [sflag:s9], $0x30  }
0xbd: {  	[sflag:s9] =	ssyncset.done $0x0  }
0xbe: {  	[sflag:s9] =	ssyncadd.s32 $0xFFFFFFD0  }
0xbf: {  	_ =	swait.ge [sflag:s9], $0x1800  }
0xc0: {  	[sflag:s9] =	ssyncset.done $0x0  }
0xc1: {  	[sflag:s9] =	ssyncadd.s32 $0xFFFFE800  }
0xc2: {  	_ =	swait.ge [sflag:s9], $0x30  }
0xc3: {  	s13 =	rddreg [dreg:$0x8];
	[sflag:s9] =	ssyncset.done $0x0  }
0xc4: {  	s15 =	simm.s32 @!p2 $0xC0;
	[sflag:s9] =	ssyncadd.s32 $0xFFFFFFD0;
	s13 =	sadd.s32 @!p2 $0x0, s13  }
0xc5: {  	[tilespmem:s15], [sflag:$0x2] =	stream.linear.gather @!p2 [hbm4b:s13+s16], $0xC0, $0x38;
	[tilespmem:$0x1FDF8] =	vst v63  }
0xc6: {  	s20 =	rddreg [dreg:$0x7];
	s13 =	simm.s32 $0x30  }
0xc7: {  	s16 =	simm.s32 $0x60;
	p2 =	por $0x0, $0x0;
	s15 =	sadd.s32 $0x0, s20  }
0xc8: {  	[hbm4b:s18+s4] =	stream.linear.scatter [tilespmem:s31], [sflag:$0x6], $0x6000, $0x38;
	[tilespmem:$0x1FDF8] =	vst v63  }
.LBB2_2:
0xc9: {  	s19 =	simm.s32 @!p2 $0x5  }
0xca: {  	[hbm4b:s15+s4] =	stream.linear.scatter [tilespmem:s1], [sflag:$0x6], $0xC0, $0x38;
	[tilespmem:$0x1FDF8] =	vst v63  }
0xcb: {  	_ =	swait.ge @!p2 [sflag:s19], $0x6000  }
0xcc: {  	[sflag:s19] =	ssyncset.done @!p2 $0x0  }
0xcd: {  	[sflag:s19] =	ssyncadd.s32 @!p2 $0xFFFFA000  }
0xce: {  	_ =	swait.ge @!p2 [sflag:s19], $0xC0  }
0xcf: {  	[sflag:s19] =	ssyncset.done @!p2 $0x0  }
0xd0: {  	[sflag:s19] =	ssyncadd.s32 @!p2 $0xFFFFFF40  }
0xd1: {  	_ =	swait.ge [sflag:s22], $0xC0  }
0xd2: {  	[sflag:s22] =	ssyncset.done $0x0  }
0xd3: {  	[sflag:s22] =	ssyncadd.s32 $0xFFFFFF40  }
0xd4: {  	[tilespmem:s24], [sflag:$0x3] =	stream.indirect.gather [spmem:s2], $0x80, s4, s23, $0xb8;
	[tilespmem:$0x1FDF8] =	vst v63  }
0xd5: {  	_ = 	snop  }
0xd6: {  	[tilespmem:s25], [sflag:$0x3] =	stream.indirect.gather [spmem:s3], $0x1, s4, s23, $0xb8;
	[tilespmem:$0x1FDF8] =	vst v63  }
0xd7: {  	s19 =	rddreg [dreg:$0xb]  }
0xd8: {  	[tilespmem:s19], [sflag:$0x3] =	stream.indirect.gather [spmem:s2], $0x80, s23, s23, $0xb8;
	[tilespmem:$0x1FDF8] =	vst v63  }
0xd9: {  	s20 =	rddreg [dreg:$0xc]  }
0xda: {  	[tilespmem:s20], [sflag:$0x3] =	stream.indirect.gather [spmem:s3], $0x1, s23, s23, $0xb8;
	[tilespmem:$0x1FDF8] =	vst v63  }
0xdb: {  	s14 =	rddreg [dreg:$0xd]  }
0xdc: {  	[tilespmem:s14], [sflag:$0x3] =	stream.indirect.gather [spmem:s2], $0x80, s26, s23, $0xb8;
	[tilespmem:$0x1FDF8] =	vst v63  }
0xdd: {  	s20 =	rddreg [dreg:$0xe]  }
0xde: {  	[tilespmem:s20], [sflag:$0x3] =	stream.indirect.gather [spmem:s3], $0x1, s26, s23, $0xb8;
	[tilespmem:$0x1FDF8] =	vst v63  }
0xdf: {  	s14 =	rddreg [dreg:$0xf]  }
0xe0: {  	[tilespmem:s14], [sflag:$0x3] =	stream.indirect.gather [spmem:s2], $0x80, s28, s23, $0xb8;
	[tilespmem:$0x1FDF8] =	vst v63  }
0xe1: {  	s20 =	rddreg [dreg:$0x10]  }
0xe2: {  	[tilespmem:s20], [sflag:$0x3] =	stream.indirect.gather [spmem:s3], $0x1, s28, s23, $0xb8;
	[tilespmem:$0x1FDF8] =	vst v63  }
0xe3: {  	_ =	swait.ge [sflag:s29], $0x1800  }
0xe4: {  	[sflag:s29] =	ssyncset.done $0x0  }
0xe5: {  	[sflag:s29] =	ssyncadd.s32 $0xFFFFE800  }
0xe6: {  	_ =	swait.ge [sflag:s29], $0x30  }
0xe7: {  	[sflag:s29] =	ssyncset.done $0x0  }
0xe8: {  	[sflag:s29] =	ssyncadd.s32 $0xFFFFFFD0  }
0xe9: {  	_ =	swait.ge [sflag:s29], $0x1800  }
0xea: {  	[sflag:s29] =	ssyncset.done $0x0  }
0xeb: {  	[sflag:s29] =	ssyncadd.s32 $0xFFFFE800  }
0xec: {  	_ =	swait.ge [sflag:s29], $0x30  }
0xed: {  	[sflag:s29] =	ssyncset.done $0x0  }
0xee: {  	[sflag:s29] =	ssyncadd.s32 $0xFFFFFFD0  }
0xef: {  	_ =	swait.ge [sflag:s29], $0x1800  }
0xf0: {  	[sflag:s29] =	ssyncset.done $0x0  }
0xf1: {  	[sflag:s29] =	ssyncadd.s32 $0xFFFFE800  }
0xf2: {  	_ =	swait.ge [sflag:s29], $0x30  }
0xf3: {  	[sflag:s29] =	ssyncset.done $0x0  }
0xf4: {  	[sflag:s29] =	ssyncadd.s32 $0xFFFFFFD0  }
0xf5: {  	_ =	swait.ge [sflag:s29], $0x1800  }
0xf6: {  	[sflag:s29] =	ssyncset.done $0x0  }
0xf7: {  	[sflag:s29] =	ssyncadd.s32 $0xFFFFE800  }
0xf8: {  	s18 =	sadd.s32 $0x1800, s18;
	_ =	swait.ge [sflag:s29], $0x30  }
0xf9: {  	p3 =	seq.s32 s13, $0x750;
	s15 =	rddreg [dreg:$0xa];
	[sflag:s29] =	ssyncset.done $0x0  }
0xfa: {  	[sflag:s29] =	ssyncadd.s32 $0xFFFFFFD0;
	s20 =	sadd.s32 @!p3 s13, s15;
	s15 =	simm.s32 @!p3 $0x0  }
0xfb: {  	[tilespmem:s15], [sflag:$0x1] =	stream.linear.gather @!p3 [hbm4b:s20+s15], $0xC0, $0x38;
	[tilespmem:$0x1FDF8] =	vst v63  }
0xfc: {  	s14 =	sadd.s32 $0xFFFFF400, s18;
	s19 =	rddreg [dreg:$0x9]  }
0xfd: {  	[hbm4b:s14+s4] =	stream.linear.scatter [tilespmem:s24], [sflag:$0x5], $0x6000, $0x38;
	[tilespmem:$0x1FDF8] =	vst v63  }
0xfe: {  	s19 =	sadd.s32 s13, s19;
	s20 =	simm.s32 @!p2 $0x6  }
0xff: {  	[hbm4b:s19+s4] =	stream.linear.scatter [tilespmem:s25], [sflag:$0x5], $0xC0, $0x38;
	[tilespmem:$0x1FDF8] =	vst v63  }
0x100: {  	_ =	swait.ge @!p2 [sflag:s20], $0x6000  }
0x101: {  	[sflag:s20] =	ssyncset.done @!p2 $0x0  }
0x102: {  	[sflag:s20] =	ssyncadd.s32 @!p2 $0xFFFFA000  }
0x103: {  	_ =	swait.ge @!p2 [sflag:s20], $0xC0  }
0x104: {  	[sflag:s20] =	ssyncset.done @!p2 $0x0  }
0x105: {  	[sflag:s20] =	ssyncadd.s32 @!p2 $0xFFFFFF40  }
0x106: {  	_ =	swait.ge [sflag:s30], $0xC0  }
0x107: {  	[sflag:s30] =	ssyncset.done $0x0  }
0x108: {  	[sflag:s30] =	ssyncadd.s32 $0xFFFFFF40  }
0x109: {  	[tilespmem:s31], [sflag:$0x4] =	stream.indirect.gather [spmem:s2], $0x80, s21, s23, $0xb8;
	[tilespmem:$0x1FDF8] =	vst v63  }
0x10a: {  	_ = 	snop  }
0x10b: {  	[tilespmem:s1], [sflag:$0x4] =	stream.indirect.gather [spmem:s3], $0x1, s21, s23, $0xb8;
	[tilespmem:$0x1FDF8] =	vst v63  }
0x10c: {  	s20 =	rddreg [dreg:$0x11]  }
0x10d: {  	[tilespmem:s20], [sflag:$0x4] =	stream.indirect.gather [spmem:s2], $0x80, s0, s23, $0xb8;
	[tilespmem:$0x1FDF8] =	vst v63  }
0x10e: {  	s14 =	rddreg [dreg:$0x12]  }
0x10f: {  	[tilespmem:s14], [sflag:$0x4] =	stream.indirect.gather [spmem:s3], $0x1, s0, s23, $0xb8;
	[tilespmem:$0x1FDF8] =	vst v63  }
0x110: {  	s19 =	rddreg [dreg:$0x13]  }
0x111: {  	[tilespmem:s19], [sflag:$0x4] =	stream.indirect.gather [spmem:s2], $0x80, s5, s23, $0xb8;
	[tilespmem:$0x1FDF8] =	vst v63  }
0x112: {  	s14 =	rddreg [dreg:$0x14]  }
0x113: {  	[tilespmem:s14], [sflag:$0x4] =	stream.indirect.gather [spmem:s3], $0x1, s5, s23, $0xb8;
	[tilespmem:$0x1FDF8] =	vst v63  }
0x114: {  	_ = 	snop  }
0x115: {  	[tilespmem:s7], [sflag:$0x4] =	stream.indirect.gather [spmem:s2], $0x80, s6, s23, $0xb8;
	[tilespmem:$0x1FDF8] =	vst v63  }
0x116: {  	_ = 	snop  }
0x117: {  	[tilespmem:s8], [sflag:$0x4] =	stream.indirect.gather [spmem:s3], $0x1, s6, s23, $0xb8;
	[tilespmem:$0x1FDF8] =	vst v63  }
0x118: {  	_ =	swait.ge [sflag:s9], $0x1800  }
0x119: {  	[sflag:s9] =	ssyncset.done $0x0  }
0x11a: {  	[sflag:s9] =	ssyncadd.s32 $0xFFFFE800  }
0x11b: {  	_ =	swait.ge [sflag:s9], $0x30  }
0x11c: {  	[sflag:s9] =	ssyncset.done $0x0  }
0x11d: {  	[sflag:s9] =	ssyncadd.s32 $0xFFFFFFD0  }
0x11e: {  	_ =	swait.ge [sflag:s9], $0x1800  }
0x11f: {  	[sflag:s9] =	ssyncset.done $0x0  }
0x120: {  	[sflag:s9] =	ssyncadd.s32 $0xFFFFE800  }
0x121: {  	_ =	swait.ge [sflag:s9], $0x30  }
0x122: {  	[sflag:s9] =	ssyncset.done $0x0  }
0x123: {  	[sflag:s9] =	ssyncadd.s32 $0xFFFFFFD0  }
0x124: {  	_ =	swait.ge [sflag:s9], $0x1800  }
0x125: {  	[sflag:s9] =	ssyncset.done $0x0  }
0x126: {  	[sflag:s9] =	ssyncadd.s32 $0xFFFFE800  }
0x127: {  	_ =	swait.ge [sflag:s9], $0x30  }
0x128: {  	[sflag:s9] =	ssyncset.done $0x0  }
0x129: {  	[sflag:s9] =	ssyncadd.s32 $0xFFFFFFD0  }
0x12a: {  	_ =	swait.ge [sflag:s9], $0x1800  }
0x12b: {  	[sflag:s9] =	ssyncset.done $0x0  }
0x12c: {  	s17 =	smov.u32 s16;
	s16 =	sadd.s32 $0x30, s16;
	[sflag:s9] =	ssyncadd.s32 $0xFFFFE800  }
0x12d: {  	p1 =	sne.s32 s16, $0x780;
	s14 =	simm.s32 @!p3 $0xC0;
	_ =	swait.ge [sflag:s9], $0x30  }
.Ltmp0:
0x12e: {  	s19 =	rddreg [dreg:$0x8];
	[sflag:s9] =	ssyncset.done $0x0;
	(pc) =	sbr.rel @p1 .LBB2_2-.Ltmp0, $4  }
0x12f: {  	s20 =	rddreg [dreg:$0x7];
	[sflag:s9] =	ssyncadd.s32 $0xFFFFFFD0;
	s19 =	sadd.s32 @!p3 s13, s19  }
0x130: {  	[tilespmem:s14], [sflag:$0x2] =	stream.linear.gather @!p3 [hbm4b:s19+s15], $0xC0, $0x38;
	[tilespmem:$0x1FDF8] =	vst v63  }
0x131: {  	p2 =	seq.s32 s17, $0x0;
	s15 =	sadd.s32 s13, s20;
	s13 =	smov.u32 s17  }
0x132: {  	[hbm4b:s18+s4] =	stream.linear.scatter [tilespmem:s31], [sflag:$0x6], $0x6000, $0x38;
	[tilespmem:$0x1FDF8] =	vst v63  }
0x133: {  	s14 =	simm.s32 @!p2 $0x5  }
0x134: {  	[hbm4b:s15+s4] =	stream.linear.scatter [tilespmem:s1], [sflag:$0x6], $0xC0, $0x38;
	[tilespmem:$0x1FDF8] =	vst v63  }
0x135: {  	_ =	swait.ge @!p2 [sflag:s14], $0x6000  }
0x136: {  	[sflag:s14] =	ssyncset.done @!p2 $0x0  }
0x137: {  	[sflag:s14] =	ssyncadd.s32 @!p2 $0xFFFFA000  }
0x138: {  	_ =	swait.ge @!p2 [sflag:s14], $0xC0  }
0x139: {  	[sflag:s14] =	ssyncset.done @!p2 $0x0  }
0x13a: {  	[sflag:s14] =	ssyncadd.s32 @!p2 $0xFFFFFF40  }
0x13b: {  	_ =	swait.ge [sflag:s22], $0xC0  }
0x13c: {  	[sflag:s22] =	ssyncset.done $0x0  }
0x13d: {  	[sflag:s22] =	ssyncadd.s32 $0xFFFFFF40  }
0x13e: {  	[tilespmem:s24], [sflag:$0x3] =	stream.indirect.gather [spmem:s2], $0x80, s4, s23, $0xb8;
	[tilespmem:$0x1FDF8] =	vst v63  }
0x13f: {  	_ = 	snop  }
0x140: {  	[tilespmem:s25], [sflag:$0x3] =	stream.indirect.gather [spmem:s3], $0x1, s4, s23, $0xb8;
	[tilespmem:$0x1FDF8] =	vst v63  }
0x141: {  	s16 =	rddreg [dreg:$0xb]  }
0x142: {  	[tilespmem:s16], [sflag:$0x3] =	stream.indirect.gather [spmem:s2], $0x80, s23, s23, $0xb8;
	[tilespmem:$0x1FDF8] =	vst v63  }
0x143: {  	s17 =	rddreg [dreg:$0xc]  }
0x144: {  	[tilespmem:s17], [sflag:$0x3] =	stream.indirect.gather [spmem:s3], $0x1, s23, s23, $0xb8;
	[tilespmem:$0x1FDF8] =	vst v63  }
0x145: {  	s19 =	rddreg [dreg:$0xd]  }
0x146: {  	[tilespmem:s19], [sflag:$0x3] =	stream.indirect.gather [spmem:s2], $0x80, s26, s23, $0xb8;
	[tilespmem:$0x1FDF8] =	vst v63  }
0x147: {  	s20 =	rddreg [dreg:$0xe]  }
0x148: {  	[tilespmem:s20], [sflag:$0x3] =	stream.indirect.gather [spmem:s3], $0x1, s26, s23, $0xb8;
	[tilespmem:$0x1FDF8] =	vst v63  }
0x149: {  	s16 =	rddreg [dreg:$0xf]  }
0x14a: {  	[tilespmem:s16], [sflag:$0x3] =	stream.indirect.gather [spmem:s2], $0x80, s28, s23, $0xb8;
	[tilespmem:$0x1FDF8] =	vst v63  }
0x14b: {  	s17 =	rddreg [dreg:$0x10]  }
0x14c: {  	[tilespmem:s17], [sflag:$0x3] =	stream.indirect.gather [spmem:s3], $0x1, s28, s23, $0xb8;
	[tilespmem:$0x1FDF8] =	vst v63  }
0x14d: {  	_ =	swait.ge [sflag:s29], $0x1800  }
0x14e: {  	[sflag:s29] =	ssyncset.done $0x0  }
0x14f: {  	[sflag:s29] =	ssyncadd.s32 $0xFFFFE800  }
0x150: {  	_ =	swait.ge [sflag:s29], $0x30  }
0x151: {  	[sflag:s29] =	ssyncset.done $0x0  }
0x152: {  	[sflag:s29] =	ssyncadd.s32 $0xFFFFFFD0  }
0x153: {  	_ =	swait.ge [sflag:s29], $0x1800  }
0x154: {  	[sflag:s29] =	ssyncset.done $0x0  }
0x155: {  	[sflag:s29] =	ssyncadd.s32 $0xFFFFE800  }
0x156: {  	_ =	swait.ge [sflag:s29], $0x30  }
0x157: {  	[sflag:s29] =	ssyncset.done $0x0  }
0x158: {  	[sflag:s29] =	ssyncadd.s32 $0xFFFFFFD0  }
0x159: {  	_ =	swait.ge [sflag:s29], $0x1800  }
0x15a: {  	[sflag:s29] =	ssyncset.done $0x0  }
0x15b: {  	[sflag:s29] =	ssyncadd.s32 $0xFFFFE800  }
0x15c: {  	_ =	swait.ge [sflag:s29], $0x30  }
0x15d: {  	[sflag:s29] =	ssyncset.done $0x0  }
0x15e: {  	[sflag:s29] =	ssyncadd.s32 $0xFFFFFFD0  }
0x15f: {  	_ =	swait.ge [sflag:s29], $0x1800  }
0x160: {  	[sflag:s29] =	ssyncset.done $0x0  }
0x161: {  	[sflag:s29] =	ssyncadd.s32 $0xFFFFE800  }
0x162: {  	s15 =	sadd.s32 $0x1800, s18;
	_ =	swait.ge [sflag:s29], $0x30  }
0x163: {  	p1 =	seq.s32 s13, $0x750;
	s14 =	rddreg [dreg:$0xa];
	[sflag:s29] =	ssyncset.done $0x0  }
0x164: {  	s17 =	simm.s32 @!p1 $0x0;
	[sflag:s29] =	ssyncadd.s32 $0xFFFFFFD0;
	s14 =	sadd.s32 @!p1 s13, s14  }
0x165: {  	[tilespmem:s17], [sflag:$0x1] =	stream.linear.gather @!p1 [hbm4b:s14+s17], $0xC0, $0x38;
	[tilespmem:$0x1FDF8] =	vst v63  }
0x166: {  	s19 =	sadd.s32 $0xFFFFF400, s15;
	s16 =	rddreg [dreg:$0x9]  }
0x167: {  	[hbm4b:s19+s4] =	stream.linear.scatter [tilespmem:s24], [sflag:$0x5], $0x6000, $0x38;
	[tilespmem:$0x1FDF8] =	vst v63  }
0x168: {  	s20 =	sadd.s32 s13, s16;
	s16 =	simm.s32 @!p2 $0x6  }
0x169: {  	[hbm4b:s20+s4] =	stream.linear.scatter [tilespmem:s25], [sflag:$0x5], $0xC0, $0x38;
	[tilespmem:$0x1FDF8] =	vst v63  }
0x16a: {  	_ =	swait.ge @!p2 [sflag:s16], $0x6000  }
0x16b: {  	[sflag:s16] =	ssyncset.done @!p2 $0x0  }
0x16c: {  	[sflag:s16] =	ssyncadd.s32 @!p2 $0xFFFFA000  }
0x16d: {  	_ =	swait.ge @!p2 [sflag:s16], $0xC0  }
0x16e: {  	[sflag:s16] =	ssyncset.done @!p2 $0x0  }
0x16f: {  	[sflag:s16] =	ssyncadd.s32 @!p2 $0xFFFFFF40  }
0x170: {  	_ =	swait.ge [sflag:s30], $0xC0  }
0x171: {  	[sflag:s30] =	ssyncset.done $0x0  }
0x172: {  	[sflag:s30] =	ssyncadd.s32 $0xFFFFFF40  }
0x173: {  	[tilespmem:s31], [sflag:$0x4] =	stream.indirect.gather [spmem:s2], $0x80, s21, s23, $0xb8;
	[tilespmem:$0x1FDF8] =	vst v63  }
0x174: {  	_ = 	snop  }
0x175: {  	[tilespmem:s1], [sflag:$0x4] =	stream.indirect.gather [spmem:s3], $0x1, s21, s23, $0xb8;
	[tilespmem:$0x1FDF8] =	vst v63  }
0x176: {  	s16 =	rddreg [dreg:$0x11]  }
0x177: {  	[tilespmem:s16], [sflag:$0x4] =	stream.indirect.gather [spmem:s2], $0x80, s0, s23, $0xb8;
	[tilespmem:$0x1FDF8] =	vst v63  }
0x178: {  	s18 =	rddreg [dreg:$0x12]  }
0x179: {  	[tilespmem:s18], [sflag:$0x4] =	stream.indirect.gather [spmem:s3], $0x1, s0, s23, $0xb8;
	[tilespmem:$0x1FDF8] =	vst v63  }
0x17a: {  	s19 =	rddreg [dreg:$0x13]  }
0x17b: {  	[tilespmem:s19], [sflag:$0x4] =	stream.indirect.gather [spmem:s2], $0x80, s5, s23, $0xb8;
	[tilespmem:$0x1FDF8] =	vst v63  }
0x17c: {  	s20 =	rddreg [dreg:$0x14]  }
0x17d: {  	[tilespmem:s20], [sflag:$0x4] =	stream.indirect.gather [spmem:s3], $0x1, s5, s23, $0xb8;
	[tilespmem:$0x1FDF8] =	vst v63  }
0x17e: {  	_ = 	snop  }
0x17f: {  	[tilespmem:s7], [sflag:$0x4] =	stream.indirect.gather [spmem:s2], $0x80, s6, s23, $0xb8;
	[tilespmem:$0x1FDF8] =	vst v63  }
0x180: {  	_ = 	snop  }
0x181: {  	[tilespmem:s8], [sflag:$0x4] =	stream.indirect.gather [spmem:s3], $0x1, s6, s23, $0xb8;
	[tilespmem:$0x1FDF8] =	vst v63  }
0x182: {  	_ =	swait.ge [sflag:s9], $0x1800  }
0x183: {  	[sflag:s9] =	ssyncset.done $0x0  }
0x184: {  	[sflag:s9] =	ssyncadd.s32 $0xFFFFE800  }
0x185: {  	_ =	swait.ge [sflag:s9], $0x30  }
0x186: {  	[sflag:s9] =	ssyncset.done $0x0  }
0x187: {  	[sflag:s9] =	ssyncadd.s32 $0xFFFFFFD0  }
0x188: {  	_ =	swait.ge [sflag:s9], $0x1800  }
0x189: {  	[sflag:s9] =	ssyncset.done $0x0  }
0x18a: {  	[sflag:s9] =	ssyncadd.s32 $0xFFFFE800  }
0x18b: {  	_ =	swait.ge [sflag:s9], $0x30  }
0x18c: {  	[sflag:s9] =	ssyncset.done $0x0  }
0x18d: {  	[sflag:s9] =	ssyncadd.s32 $0xFFFFFFD0  }
0x18e: {  	_ =	swait.ge [sflag:s9], $0x1800  }
0x18f: {  	[sflag:s9] =	ssyncset.done $0x0  }
0x190: {  	[sflag:s9] =	ssyncadd.s32 $0xFFFFE800  }
0x191: {  	_ =	swait.ge [sflag:s9], $0x30  }
0x192: {  	[sflag:s9] =	ssyncset.done $0x0  }
0x193: {  	[sflag:s9] =	ssyncadd.s32 $0xFFFFFFD0  }
0x194: {  	_ =	swait.ge [sflag:s9], $0x1800  }
0x195: {  	[sflag:s9] =	ssyncset.done $0x0  }
0x196: {  	[sflag:s9] =	ssyncadd.s32 $0xFFFFE800  }
0x197: {  	_ =	swait.ge [sflag:s9], $0x30  }
0x198: {  	s14 =	rddreg [dreg:$0x8];
	[sflag:s9] =	ssyncset.done $0x0  }
0x199: {  	s16 =	simm.s32 @!p1 $0xC0;
	[sflag:s9] =	ssyncadd.s32 $0xFFFFFFD0;
	s14 =	sadd.s32 @!p1 s13, s14  }
0x19a: {  	[tilespmem:s16], [sflag:$0x2] =	stream.linear.gather @!p1 [hbm4b:s14+s17], $0xC0, $0x38;
	[tilespmem:$0x1FDF8] =	vst v63  }
0x19b: {  	s18 =	rddreg [dreg:$0x7]  }
0x19c: {  	[hbm4b:s15+s4] =	stream.linear.scatter [tilespmem:s31], [sflag:$0x6], $0x6000, $0x38;
	[tilespmem:$0x1FDF8] =	vst v63  }
0x19d: {  	s19 =	sadd.s32 s13, s18  }
0x19e: {  	[hbm4b:s19+s4] =	stream.linear.scatter [tilespmem:s1], [sflag:$0x6], $0xC0, $0x38;
	[tilespmem:$0x1FDF8] =	vst v63  }
0x19f: {  	_ =	swait.ge [sflag:s10], $0x6000  }
0x1a0: {  	[sflag:s10] =	ssyncset.done $0x0  }
0x1a1: {  	[sflag:s10] =	ssyncadd.s32 $0xFFFFA000  }
0x1a2: {  	_ =	swait.ge [sflag:s10], $0xC0  }
0x1a3: {  	[sflag:s10] =	ssyncset.done $0x0  }
0x1a4: {  	[sflag:s10] =	ssyncadd.s32 $0xFFFFFF40  }
0x1a5: {  	_ =	swait.ge [sflag:s11], $0x6000  }
0x1a6: {  	[sflag:s11] =	ssyncset.done $0x0  }
0x1a7: {  	[sflag:s11] =	ssyncadd.s32 $0xFFFFA000  }
0x1a8: {  	_ =	swait.ge [sflag:s11], $0xC0  }
0x1a9: {  	s20 =	sld [smem:$0x7FA];
	_ =	sdelay $0x1  }
0x1aa: {  	s12 =	sadd.s32 $0x1, s12  }
0x1ab: {  	p1 =	sne.s32 s12, s20  }
.Ltmp1:
0x1ac: {  	_ = 	snop;
	(pc) =	sbr.rel @p1 .LBB2_1-.Ltmp1, $3  }
0x1ad: {  	_ =	sdelay $0x1  }
0x1ae: {  	[sflag:s11] =	ssyncset.done $0x0  }
0x1af: {  	[sflag:s11] =	ssyncadd.s32 $0xFFFFFF40  }
0x1b0: {  	_ =	sfence.sel $0x180000  }
0x1b1: {  	[bflag:$0x0] =	sbarrier.arrive $0xFFFF  }
0x1b2: {  	_ =	strace $0x90000047  }
0x1b3: {  	s0 =	stileid.u32;
	[bflag:$0x2] =	sbarrier.arrive $0xFFFF  }
0x1b4: {  	p0 =	sne.s32 s0, $0x0;
	s0 =	rddreg [dreg:$0x6]  }
0x1b5: {  	s0 =	sadd.s32 @!p0 $0x100000, s0  }
0x1b6: {  	[sflag:s0] =	ssyncadd.tile.s32 @!p0 $0x1;
	_ =	shalt  }
.Lfunc_end2:
_tile_overlayer_lowered:
.L_overlay_start_2:
0x1b7: {  	(tag) =	ssettag $0x2  }
0x1b8: {  	s0 =	rddreg [dreg:$0x0];
	s2 =	stileid.u32  }
0x1b9: {  	s1 =	rddreg [dreg:$0x1];
	p0 =	sne.s32 s2, $0x0  }
0x1ba: {  	s3 =	rddreg [dreg:$0x2];
	[bflag:$0x3] =	sbarrier.arrive $0xFFFF;
	s2 =	simm.s32 @!p0 $0x1C07  }
0x1bb: {  	[timem:s3], [sflag:s2] =	dma.local @!p0 [hbm:s0], s1  }
0x1bc: {  	s0 =	simm.s32 @!p0 $0x7  }
0x1bd: {  	_ =	swait.ge @!p0 [sflag:s0], s1  }
0x1be: {  	s1 =	ssub.s32 @!p0 $0x0, s1;
	[sflag:s0] =	ssyncset.done @!p0 $0x0  }
0x1bf: {  	[sflag:s0] =	ssyncadd.s32 @!p0 s1  }
0x1c0: {  	[bflag:$0x3] =	sbarrier.arrive $0xFFFF  }
0x1c1: {  	_ =	shalt  }

</sc_bundles>
